<compile_context>
chip_gen: v7x
topology: tpu7x:2x2x1
jax: 0.10.2.dev20260603
libtpu: 0.0.44.dev20260713+nightly
codegen_flags: <defaults>
</compile_context>

<pallas_src>
import functools

import jax
import jax.numpy as jnp
from jax import lax
from jax.experimental import pallas as pl
from jax.experimental.pallas import tpu as pltpu
from jax.experimental.pallas import tpu_sc as plsc

NUM_SEGMENTS = 4096
T = 131072
D = 64
NC = 2
NS = 16
NW = NC * NS
PER_W = T // NW
CHUNK = 128
NCHUNK = PER_W // CHUNK
ACCW = 32


def _sc_kernel(dom2d, ran2d, rel2d, seg2d, temb, remb, zeros_hbm):
    mesh = plsc.VectorSubcoreMesh(core_axis_name="c", subcore_axis_name="s")

    @functools.partial(
        pl.kernel,
        out_type=jax.ShapeDtypeStruct((NC, NUM_SEGMENTS, ACCW), jnp.float32),
        mesh=mesh,
        scratch_types=[
            pltpu.VMEM((NCHUNK, CHUNK), jnp.int32),
            pltpu.VMEM((NCHUNK, CHUNK), jnp.int32),
            pltpu.VMEM((NCHUNK, CHUNK), jnp.int32),
            pltpu.VMEM((NCHUNK, CHUNK), jnp.int32),
            pltpu.VMEM((2, CHUNK, D), jnp.bfloat16),
            pltpu.VMEM((2, CHUNK, D), jnp.bfloat16),
            pltpu.VMEM((2, CHUNK, D), jnp.bfloat16),
            pltpu.VMEM((2, CHUNK, ACCW), jnp.float32),
            pltpu.VMEM_SHARED((NUM_SEGMENTS, ACCW), jnp.float32),
            pltpu.SemaphoreType.DMA,
            pltpu.SemaphoreType.DMA,
        ],
        compiler_params=pltpu.CompilerParams(use_tc_tiling_on_sc=False,
                                             needs_layout_passes=False),
    )
    def k(dom_h, ran_h, rel_h, seg_h, temb_h, remb_h, zeros_h, out_h,
          idx_d, idx_r, idx_l, idx_s, dom_v, ran_v, rel_v, row_v,
          shared_acc, sem0, sem1):
        cid = lax.axis_index("c")
        sid = lax.axis_index("s")
        wid = sid * NC + cid
        sems = (sem0, sem1)

        @pl.when(sid == 0)
        def _():
            pltpu.sync_copy(zeros_h, shared_acc)

        ones = jnp.ones((16,), jnp.float32)
        for b in range(2):
            @pl.loop(0, CHUNK)
            def _(t, b=b):
                row_v[b, t, pl.ds(16, 16)] = ones

        sl_w = pl.ds(wid * NCHUNK, NCHUNK)
        pltpu.sync_copy(dom_h.at[sl_w], idx_d)
        pltpu.sync_copy(ran_h.at[sl_w], idx_r)
        pltpu.sync_copy(rel_h.at[sl_w], idx_l)
        pltpu.sync_copy(seg_h.at[sl_w], idx_s)

        plsc.subcore_barrier()

        def gather_trio(g, b):
            return (
                pltpu.make_async_copy(temb_h.at[idx_d.at[g]], dom_v.at[b], sems[b]),
                pltpu.make_async_copy(temb_h.at[idx_r.at[g]], ran_v.at[b], sems[b]),
                pltpu.make_async_copy(remb_h.at[idx_l.at[g]], rel_v.at[b], sems[b]),
            )

        def issue(g, b):
            for cp in gather_trio(g, b):
                cp.start()

        issue(0, 0)
        issue(1, 1)

        @pl.loop(0, NCHUNK, step=2)
        def _(g0):
            for b in range(2):
                g = g0 + b
                for cp in gather_trio(g, b):
                    cp.wait()

                @pl.loop(0, CHUNK)
                def _(t, b=b):
                    s0, s1 = pl.ds(0, 32), pl.ds(32, 32)
                    e0 = dom_v[b, t, s0] + rel_v[b, t, s0] - ran_v[b, t, s0]
                    e1 = dom_v[b, t, s1] + rel_v[b, t, s1] - ran_v[b, t, s1]
                    s = e0 * e0 + e1 * e1
                    pa, pb = plsc.unpack(s, format=plsc.PackFormat.INTERLEAVED)
                    row_v[b, t, pl.ds(0, 16)] = -(pa + pb)

                pltpu.sync_copy(row_v.at[b], shared_acc.at[idx_s.at[g]],
                                add=True)

                @pl.when(g + 2 < NCHUNK)
                def _(g=g, b=b):
                    issue(g + 2, b)

        plsc.subcore_barrier()
        rows_per_sub = NUM_SEGMENTS // NS
        pltpu.sync_copy(
            shared_acc.at[pl.ds(sid * rows_per_sub, rows_per_sub)],
            out_h.at[cid, pl.ds(sid * rows_per_sub, rows_per_sub)],
        )

    return k(dom2d, ran2d, rel2d, seg2d, temb, remb, zeros_hbm)


def _finish(acc):
    half = NUM_SEGMENTS // 4

    def body(a_ref, o_ref):
        s = a_ref[0:half, :] + a_ref[half:2 * half, :]
        cols = []
        for k in range(4):
            sums = jnp.sum(s[:, 32 * k:32 * k + 16], axis=1, keepdims=True)
            cnt = s[:, 32 * k + 16:32 * k + 17]
            cols.append(jnp.where(cnt > 0, sums / jnp.maximum(cnt, 1.0), 0.0))
        o_ref[...] = jnp.concatenate(cols, axis=1)

    out = pl.pallas_call(
        body,
        out_shape=jax.ShapeDtypeStruct((half, 4), jnp.float32),
    )(acc.reshape(2 * half, 128))
    return out.reshape(NUM_SEGMENTS)


def kernel(dom_ids, ran_ids, rel_ids, segment_ids, type_emb, rel_emb):
    dom2d = dom_ids.astype(jnp.int32).reshape(T // CHUNK, CHUNK)
    ran2d = ran_ids.astype(jnp.int32).reshape(T // CHUNK, CHUNK)
    rel2d = rel_ids.astype(jnp.int32).reshape(T // CHUNK, CHUNK)
    seg2d = segment_ids.astype(jnp.int32).reshape(T // CHUNK, CHUNK)
    zeros = jnp.zeros((NUM_SEGMENTS, ACCW), jnp.float32)
    acc = _sc_kernel(dom2d, ran2d, rel2d, seg2d,
                     type_emb.astype(jnp.bfloat16),
                     rel_emb.astype(jnp.bfloat16), zeros)
    return _finish(acc)

# --- scband reference (transcript-rebuilt; emitter-appended) ---
"""Pipeline reference for scband-trans-e-64750926954631 (READ-ONLY COPY).

The authoritative reference and input builder live on the scoring server;
editing this copy changes nothing except your own understanding.
"""

import jax, jax.numpy as jnp
import numpy as np

NUM_TYPES = 50000
TYPE_EMB_DIM = 64
NUM_RELS_VOCAB = 1000
NUM_SEGMENTS = 4096
T = 131072


def setup_inputs(seed: int = 0) -> dict:
    key = jax.random.key(seed)
    k1, k2, k3, k4, k5, k6 = jax.random.split(key, 6)
    dom_ids = jax.random.randint(k1, (T,), 0, NUM_TYPES, dtype=jnp.int64 if jax.config.jax_enable_x64 else jnp.int32)
    ran_ids = jax.random.randint(k2, (T,), 0, NUM_TYPES, dtype=jnp.int64 if jax.config.jax_enable_x64 else jnp.int32)
    rel_ids = jax.random.randint(k3, (T,), 0, NUM_RELS_VOCAB, dtype=jnp.int64 if jax.config.jax_enable_x64 else jnp.int32)
    segment_ids = jnp.sort(jax.random.randint(k4, (T,), 0, NUM_SEGMENTS, dtype=jnp.int64 if jax.config.jax_enable_x64 else jnp.int32))
    type_emb = jax.random.normal(k5, (NUM_TYPES, TYPE_EMB_DIM), dtype=jnp.float32)
    rel_emb = jax.random.normal(k6, (NUM_RELS_VOCAB, TYPE_EMB_DIM), dtype=jnp.float32)
    return {"dom_ids": dom_ids, "ran_ids": ran_ids, "rel_ids": rel_ids, "segment_ids": segment_ids, "type_emb": type_emb, "rel_emb": rel_emb}


def reference(dom_ids, ran_ids, rel_ids, segment_ids, type_emb, rel_emb):
    # TransE over flattened (domain-type, relation, range-type) triples:
    # embedding gathers -> translational distance score -> ragged segment mean per relation instance.
    flat_doms = jnp.take(type_emb, dom_ids, axis=0)
    flat_rels = jnp.take(rel_emb, rel_ids, axis=0)
    flat_rans = jnp.take(type_emb, ran_ids, axis=0)
    scores = -jnp.sum(jnp.square(flat_doms + flat_rels - flat_rans), axis=1)
    seg_sums = jax.ops.segment_sum(scores, segment_ids, num_segments=NUM_SEGMENTS)
    seg_counts = jax.ops.segment_sum(jnp.ones_like(scores), segment_ids, num_segments=NUM_SEGMENTS)
    # segments with zero triples get score 0.0, matching the torch loop behavior
    final_scores = jnp.where(seg_counts > 0, seg_sums / jnp.maximum(seg_counts, 1.0), 0.0)
    return final_scores

if __name__ == "__main__":
    import jax
    _d = setup_inputs()
    print(jax.jit(kernel)(*tuple(_d.values())))

</pallas_src>

<mosaic_0001>
#map = affine_map<(d0, d1) -> (0, 0)>
#map1 = affine_map<(d0, d1) -> (0, 0, 0)>
module attributes {stable_mosaic.version = 14 : i64} {
  func.func @k(%arg0: i32, %arg1: i32, %arg2: memref<1024x128xi32, #tpu.memory_space<hbm>>, %arg3: memref<1024x128xi32, #tpu.memory_space<hbm>>, %arg4: memref<1024x128xi32, #tpu.memory_space<hbm>>, %arg5: memref<1024x128xi32, #tpu.memory_space<hbm>>, %arg6: memref<50000x64xbf16, #tpu.memory_space<hbm>>, %arg7: memref<1000x64xbf16, #tpu.memory_space<hbm>>, %arg8: memref<4096x32xf32, #tpu.memory_space<hbm>>, %arg9: memref<2x4096x32xf32, #tpu.memory_space<hbm>>, %arg10: memref<32x128xi32, #tpu.memory_space<vmem>>, %arg11: memref<32x128xi32, #tpu.memory_space<vmem>>, %arg12: memref<32x128xi32, #tpu.memory_space<vmem>>, %arg13: memref<32x128xi32, #tpu.memory_space<vmem>>, %arg14: memref<2x128x64xbf16, #tpu.memory_space<vmem>>, %arg15: memref<2x128x64xbf16, #tpu.memory_space<vmem>>, %arg16: memref<2x128x64xbf16, #tpu.memory_space<vmem>>, %arg17: memref<2x128x32xf32, #tpu.memory_space<vmem>>, %arg18: memref<4096x32xf32, #tpu.memory_space<vmem_shared>>, %arg19: memref<!tpu.dma_semaphore, #tpu.memory_space<semaphore_mem>>, %arg20: memref<!tpu.dma_semaphore, #tpu.memory_space<semaphore_mem>>) attributes {dimension_semantics = [#tpu.dimension_semantics<core_parallel>, #tpu.dimension_semantics<subcore_parallel>], iteration_bounds = array<i64: 2, 16>, scalar_prefetch = 0 : i64, scratch_operands = 11 : i64, tpu.core_type = #tpu.core_type<sc_vector_subcore>, window_params = [{transform_indices = #map}, {transform_indices = #map}, {transform_indices = #map}, {transform_indices = #map}, {transform_indices = #map}, {transform_indices = #map}, {transform_indices = #map}, {transform_indices = #map1}]} {
    %mul3A = arith.constant 2 : i32
    %mul3A_0 = arith.muli %arg1, %mul3A : i32
    %add3A = arith.addi %mul3A_0, %arg0 : i32
    %eq3A = arith.constant 0 : i32
    %eq3A_1 = arith.cmpi eq, %arg1, %eq3A : i32
    %convert_element_type3A = arith.extui %eq3A_1 : i1 to i32
    %cond3A = arith.constant 0 : i32
    %cond3A_2 = arith.cmpi ne, %convert_element_type3A, %cond3A : i32
    scf.if %cond3A_2 {
      "tpu.region"() ({
        %run_scoped3A = tpu.sem_alloc : memref<!tpu.dma_semaphore, #tpu.memory_space<semaphore_mem>>
        tpu.enqueue_dma source(%arg8 : memref<4096x32xf32, #tpu.memory_space<hbm>>) target(%arg18 : memref<4096x32xf32, #tpu.memory_space<vmem_shared>>) target_semaphore(%run_scoped3A : memref<!tpu.dma_semaphore, #tpu.memory_space<semaphore_mem>>)
        tpu.wait_dma2 semaphore(%run_scoped3A : memref<!tpu.dma_semaphore, #tpu.memory_space<semaphore_mem>>) src(%arg8 : memref<4096x32xf32, #tpu.memory_space<hbm>>) dst(%arg18 : memref<4096x32xf32, #tpu.memory_space<vmem_shared>>)
        tpu.yield
      }) : () -> ()
    } else {
    }
    %broadcast_in_dim3A = arith.constant 1.000000e+00 : f32
    %broadcast_in_dim3A_3 = vector.broadcast %broadcast_in_dim3A : f32 to vector<16xf32>
    %scan3A = arith.constant 0 : i32
    %scan3A_4 = arith.constant 128 : i32
    %scan3A_5 = arith.addi %scan3A, %scan3A_4 : i32
    %scan3A_6 = arith.constant 1 : i32
    scf.for %scan3A_96 = %scan3A to %scan3A_5 step %scan3A_6  : i32 {
      %mul3A_97 = arith.constant 1 : i32
      %mul3A_98 = arith.muli %scan3A_96, %mul3A_97 : i32
      %add3A_99 = arith.constant 0 : i32
      %add3A_100 = arith.addi %add3A_99, %mul3A_98 : i32
      %swap3A = arith.constant 0 : i32
      %swap3A_101 = arith.index_cast %swap3A : i32 to index
      %swap3A_102 = arith.index_cast %add3A_100 : i32 to index
      %swap3A_103 = arith.constant 16 : index
      %swap3A_104 = tpu.vector_load %arg17[%swap3A_101, %swap3A_102, %swap3A_103] {strides = array<i32>} : memref<2x128x32xf32, #tpu.memory_space<vmem>>, vector<16xf32>,
      tpu.vector_store %arg17[%swap3A_101, %swap3A_102, %swap3A_103], %broadcast_in_dim3A_3 {strides = array<i32>} : memref<2x128x32xf32, #tpu.memory_space<vmem>>, vector<16xf32>,
    }
    %scan3A_7 = arith.constant 128 : i32
    %scan3A_8 = arith.constant 0 : i32
    %scan3A_9 = arith.constant 128 : i32
    %scan3A_10 = arith.addi %scan3A_8, %scan3A_9 : i32
    %scan3A_11 = arith.constant 1 : i32
    scf.for %scan3A_96 = %scan3A_8 to %scan3A_10 step %scan3A_11  : i32 {
      %mul3A_97 = arith.constant 1 : i32
      %mul3A_98 = arith.muli %scan3A_96, %mul3A_97 : i32
      %add3A_99 = arith.constant 0 : i32
      %add3A_100 = arith.addi %add3A_99, %mul3A_98 : i32
      %swap3A = arith.constant 1 : i32
      %swap3A_101 = arith.index_cast %swap3A : i32 to index
      %swap3A_102 = arith.index_cast %add3A_100 : i32 to index
      %swap3A_103 = arith.constant 16 : index
      %swap3A_104 = tpu.vector_load %arg17[%swap3A_101, %swap3A_102, %swap3A_103] {strides = array<i32>} : memref<2x128x32xf32, #tpu.memory_space<vmem>>, vector<16xf32>,
      tpu.vector_store %arg17[%swap3A_101, %swap3A_102, %swap3A_103], %broadcast_in_dim3A_3 {strides = array<i32>} : memref<2x128x32xf32, #tpu.memory_space<vmem>>, vector<16xf32>,
    }
    %scan3A_12 = arith.constant 128 : i32
    %mul3A_13 = arith.constant 32 : i32
    %mul3A_14 = arith.muli %add3A, %mul3A_13 : i32
    "tpu.region"() ({
      %run_scoped3A = tpu.sem_alloc : memref<!tpu.dma_semaphore, #tpu.memory_space<semaphore_mem>>
      %dma_start3A_96 = arith.constant 0 : i32
      %dma_start3A_97 = tpu.memref_slice %arg2[%mul3A_14, %dma_start3A_96] : memref<1024x128xi32, #tpu.memory_space<hbm>> -> memref<32x128xi32, #tpu.memory_space<hbm>>
      %dma_start3A_98 = arith.constant 0 : i32
      %dma_start3A_99 = tpu.memref_slice %arg2[%mul3A_14, %dma_start3A_98] : memref<1024x128xi32, #tpu.memory_space<hbm>> -> memref<32x128xi32, #tpu.memory_space<hbm>>
      tpu.enqueue_dma source(%dma_start3A_99 : memref<32x128xi32, #tpu.memory_space<hbm>>) target(%arg10 : memref<32x128xi32, #tpu.memory_space<vmem>>) target_semaphore(%run_scoped3A : memref<!tpu.dma_semaphore, #tpu.memory_space<semaphore_mem>>)
      %dma_wait3A = arith.constant 0 : i32
      %dma_wait3A_100 = tpu.memref_slice %arg2[%mul3A_14, %dma_wait3A] : memref<1024x128xi32, #tpu.memory_space<hbm>> -> memref<32x128xi32, #tpu.memory_space<hbm>>
      %dma_wait3A_101 = arith.constant 0 : i32
      %dma_wait3A_102 = tpu.memref_slice %arg2[%mul3A_14, %dma_wait3A_101] : memref<1024x128xi32, #tpu.memory_space<hbm>> -> memref<32x128xi32, #tpu.memory_space<hbm>>
      tpu.wait_dma2 semaphore(%run_scoped3A : memref<!tpu.dma_semaphore, #tpu.memory_space<semaphore_mem>>) src(%dma_wait3A_102 : memref<32x128xi32, #tpu.memory_space<hbm>>) dst(%arg10 : memref<32x128xi32, #tpu.memory_space<vmem>>)
      tpu.yield
    }) : () -> ()
    "tpu.region"() ({
      %run_scoped3A = tpu.sem_alloc : memref<!tpu.dma_semaphore, #tpu.memory_space<semaphore_mem>>
      %dma_start3A_96 = arith.constant 0 : i32
      %dma_start3A_97 = tpu.memref_slice %arg3[%mul3A_14, %dma_start3A_96] : memref<1024x128xi32, #tpu.memory_space<hbm>> -> memref<32x128xi32, #tpu.memory_space<hbm>>
      %dma_start3A_98 = arith.constant 0 : i32
      %dma_start3A_99 = tpu.memref_slice %arg3[%mul3A_14, %dma_start3A_98] : memref<1024x128xi32, #tpu.memory_space<hbm>> -> memref<32x128xi32, #tpu.memory_space<hbm>>
      tpu.enqueue_dma source(%dma_start3A_99 : memref<32x128xi32, #tpu.memory_space<hbm>>) target(%arg11 : memref<32x128xi32, #tpu.memory_space<vmem>>) target_semaphore(%run_scoped3A : memref<!tpu.dma_semaphore, #tpu.memory_space<semaphore_mem>>)
      %dma_wait3A = arith.constant 0 : i32
      %dma_wait3A_100 = tpu.memref_slice %arg3[%mul3A_14, %dma_wait3A] : memref<1024x128xi32, #tpu.memory_space<hbm>> -> memref<32x128xi32, #tpu.memory_space<hbm>>
      %dma_wait3A_101 = arith.constant 0 : i32
      %dma_wait3A_102 = tpu.memref_slice %arg3[%mul3A_14, %dma_wait3A_101] : memref<1024x128xi32, #tpu.memory_space<hbm>> -> memref<32x128xi32, #tpu.memory_space<hbm>>
      tpu.wait_dma2 semaphore(%run_scoped3A : memref<!tpu.dma_semaphore, #tpu.memory_space<semaphore_mem>>) src(%dma_wait3A_102 : memref<32x128xi32, #tpu.memory_space<hbm>>) dst(%arg11 : memref<32x128xi32, #tpu.memory_space<vmem>>)
      tpu.yield
    }) : () -> ()
    "tpu.region"() ({
      %run_scoped3A = tpu.sem_alloc : memref<!tpu.dma_semaphore, #tpu.memory_space<semaphore_mem>>
      %dma_start3A_96 = arith.constant 0 : i32
      %dma_start3A_97 = tpu.memref_slice %arg4[%mul3A_14, %dma_start3A_96] : memref<1024x128xi32, #tpu.memory_space<hbm>> -> memref<32x128xi32, #tpu.memory_space<hbm>>
      %dma_start3A_98 = arith.constant 0 : i32
      %dma_start3A_99 = tpu.memref_slice %arg4[%mul3A_14, %dma_start3A_98] : memref<1024x128xi32, #tpu.memory_space<hbm>> -> memref<32x128xi32, #tpu.memory_space<hbm>>
      tpu.enqueue_dma source(%dma_start3A_99 : memref<32x128xi32, #tpu.memory_space<hbm>>) target(%arg12 : memref<32x128xi32, #tpu.memory_space<vmem>>) target_semaphore(%run_scoped3A : memref<!tpu.dma_semaphore, #tpu.memory_space<semaphore_mem>>)
      %dma_wait3A = arith.constant 0 : i32
      %dma_wait3A_100 = tpu.memref_slice %arg4[%mul3A_14, %dma_wait3A] : memref<1024x128xi32, #tpu.memory_space<hbm>> -> memref<32x128xi32, #tpu.memory_space<hbm>>
      %dma_wait3A_101 = arith.constant 0 : i32
      %dma_wait3A_102 = tpu.memref_slice %arg4[%mul3A_14, %dma_wait3A_101] : memref<1024x128xi32, #tpu.memory_space<hbm>> -> memref<32x128xi32, #tpu.memory_space<hbm>>
      tpu.wait_dma2 semaphore(%run_scoped3A : memref<!tpu.dma_semaphore, #tpu.memory_space<semaphore_mem>>) src(%dma_wait3A_102 : memref<32x128xi32, #tpu.memory_space<hbm>>) dst(%arg12 : memref<32x128xi32, #tpu.memory_space<vmem>>)
      tpu.yield
    }) : () -> ()
    "tpu.region"() ({
      %run_scoped3A = tpu.sem_alloc : memref<!tpu.dma_semaphore, #tpu.memory_space<semaphore_mem>>
      %dma_start3A_96 = arith.constant 0 : i32
      %dma_start3A_97 = tpu.memref_slice %arg5[%mul3A_14, %dma_start3A_96] : memref<1024x128xi32, #tpu.memory_space<hbm>> -> memref<32x128xi32, #tpu.memory_space<hbm>>
      %dma_start3A_98 = arith.constant 0 : i32
      %dma_start3A_99 = tpu.memref_slice %arg5[%mul3A_14, %dma_start3A_98] : memref<1024x128xi32, #tpu.memory_space<hbm>> -> memref<32x128xi32, #tpu.memory_space<hbm>>
      tpu.enqueue_dma source(%dma_start3A_99 : memref<32x128xi32, #tpu.memory_space<hbm>>) target(%arg13 : memref<32x128xi32, #tpu.memory_space<vmem>>) target_semaphore(%run_scoped3A : memref<!tpu.dma_semaphore, #tpu.memory_space<semaphore_mem>>)
      %dma_wait3A = arith.constant 0 : i32
      %dma_wait3A_100 = tpu.memref_slice %arg5[%mul3A_14, %dma_wait3A] : memref<1024x128xi32, #tpu.memory_space<hbm>> -> memref<32x128xi32, #tpu.memory_space<hbm>>
      %dma_wait3A_101 = arith.constant 0 : i32
      %dma_wait3A_102 = tpu.memref_slice %arg5[%mul3A_14, %dma_wait3A_101] : memref<1024x128xi32, #tpu.memory_space<hbm>> -> memref<32x128xi32, #tpu.memory_space<hbm>>
      tpu.wait_dma2 semaphore(%run_scoped3A : memref<!tpu.dma_semaphore, #tpu.memory_space<semaphore_mem>>) src(%dma_wait3A_102 : memref<32x128xi32, #tpu.memory_space<hbm>>) dst(%arg13 : memref<32x128xi32, #tpu.memory_space<vmem>>)
      tpu.yield
    }) : () -> ()
    %barrier3A = arith.constant 0 : index
    tpu.barrier barrier_id(%barrier3A)
    %dma_start3A = arith.constant 0 : i32
    %dma_start3A_15 = arith.constant 0 : i32
    %dma_start3A_16 = arith.constant 0 : i32
    %dma_start3A_17 = arith.constant 0 : i32
    %dma_start3A_18 = tpu.memref_slice %arg14[%dma_start3A_15, %dma_start3A_16, %dma_start3A_17] : memref<2x128x64xbf16, #tpu.memory_space<vmem>> -> memref<1x128x64xbf16, #tpu.memory_space<vmem>>
    %dma_start3A_19 = tpu.memref_squeeze %dma_start3A_18 : memref<1x128x64xbf16, #tpu.memory_space<vmem>> -> memref<128x64xbf16, #tpu.memory_space<vmem>>
    %dma_start3A_20 = arith.constant 0 : i32
    %dma_start3A_21 = tpu.memref_slice %arg10[%dma_start3A, %dma_start3A_20] : memref<32x128xi32, #tpu.memory_space<vmem>> -> memref<1x128xi32, #tpu.memory_space<vmem>>
    %dma_start3A_22 = tpu.memref_squeeze %dma_start3A_21 : memref<1x128xi32, #tpu.memory_space<vmem>> -> memref<128xi32, #tpu.memory_space<vmem>>
    %dma_start3A_23 = arith.constant 0 : i32
    %dma_start3A_24 = arith.constant 0 : i32
    %dma_start3A_25 = tpu.memref_slice %arg6[%dma_start3A_23, %dma_start3A_24] : memref<50000x64xbf16, #tpu.memory_space<hbm>> -> memref<50000x64xbf16, #tpu.memory_space<hbm>>
    tpu.enqueue_indirect_dma source(%dma_start3A_25 : memref<50000x64xbf16, #tpu.memory_space<hbm>>) target(%dma_start3A_19 : memref<128x64xbf16, #tpu.memory_space<vmem>>) offsets(%dma_start3A_22 : memref<128xi32, #tpu.memory_space<vmem>>) semaphore(%arg19 : memref<!tpu.dma_semaphore, #tpu.memory_space<semaphore_mem>>)
    %dma_start3A_26 = arith.constant 0 : i32
    %dma_start3A_27 = arith.constant 0 : i32
    %dma_start3A_28 = arith.constant 0 : i32
    %dma_start3A_29 = arith.constant 0 : i32
    %dma_start3A_30 = tpu.memref_slice %arg15[%dma_start3A_27, %dma_start3A_28, %dma_start3A_29] : memref<2x128x64xbf16, #tpu.memory_space<vmem>> -> memref<1x128x64xbf16, #tpu.memory_space<vmem>>
    %dma_start3A_31 = tpu.memref_squeeze %dma_start3A_30 : memref<1x128x64xbf16, #tpu.memory_space<vmem>> -> memref<128x64xbf16, #tpu.memory_space<vmem>>
    %dma_start3A_32 = arith.constant 0 : i32
    %dma_start3A_33 = tpu.memref_slice %arg11[%dma_start3A_26, %dma_start3A_32] : memref<32x128xi32, #tpu.memory_space<vmem>> -> memref<1x128xi32, #tpu.memory_space<vmem>>
    %dma_start3A_34 = tpu.memref_squeeze %dma_start3A_33 : memref<1x128xi32, #tpu.memory_space<vmem>> -> memref<128xi32, #tpu.memory_space<vmem>>
    %dma_start3A_35 = arith.constant 0 : i32
    %dma_start3A_36 = arith.constant 0 : i32
    %dma_start3A_37 = tpu.memref_slice %arg6[%dma_start3A_35, %dma_start3A_36] : memref<50000x64xbf16, #tpu.memory_space<hbm>> -> memref<50000x64xbf16, #tpu.memory_space<hbm>>
    tpu.enqueue_indirect_dma source(%dma_start3A_37 : memref<50000x64xbf16, #tpu.memory_space<hbm>>) target(%dma_start3A_31 : memref<128x64xbf16, #tpu.memory_space<vmem>>) offsets(%dma_start3A_34 : memref<128xi32, #tpu.memory_space<vmem>>) semaphore(%arg19 : memref<!tpu.dma_semaphore, #tpu.memory_space<semaphore_mem>>)
    %dma_start3A_38 = arith.constant 0 : i32
    %dma_start3A_39 = arith.constant 0 : i32
    %dma_start3A_40 = arith.constant 0 : i32
    %dma_start3A_41 = arith.constant 0 : i32
    %dma_start3A_42 = tpu.memref_slice %arg16[%dma_start3A_39, %dma_start3A_40, %dma_start3A_41] : memref<2x128x64xbf16, #tpu.memory_space<vmem>> -> memref<1x128x64xbf16, #tpu.memory_space<vmem>>
    %dma_start3A_43 = tpu.memref_squeeze %dma_start3A_42 : memref<1x128x64xbf16, #tpu.memory_space<vmem>> -> memref<128x64xbf16, #tpu.memory_space<vmem>>
    %dma_start3A_44 = arith.constant 0 : i32
    %dma_start3A_45 = tpu.memref_slice %arg12[%dma_start3A_38, %dma_start3A_44] : memref<32x128xi32, #tpu.memory_space<vmem>> -> memref<1x128xi32, #tpu.memory_space<vmem>>
    %dma_start3A_46 = tpu.memref_squeeze %dma_start3A_45 : memref<1x128xi32, #tpu.memory_space<vmem>> -> memref<128xi32, #tpu.memory_space<vmem>>
    %dma_start3A_47 = arith.constant 0 : i32
    %dma_start3A_48 = arith.constant 0 : i32
    %dma_start3A_49 = tpu.memref_slice %arg7[%dma_start3A_47, %dma_start3A_48] : memref<1000x64xbf16, #tpu.memory_space<hbm>> -> memref<1000x64xbf16, #tpu.memory_space<hbm>>
    tpu.enqueue_indirect_dma source(%dma_start3A_49 : memref<1000x64xbf16, #tpu.memory_space<hbm>>) target(%dma_start3A_43 : memref<128x64xbf16, #tpu.memory_space<vmem>>) offsets(%dma_start3A_46 : memref<128xi32, #tpu.memory_space<vmem>>) semaphore(%arg19 : memref<!tpu.dma_semaphore, #tpu.memory_space<semaphore_mem>>)
    %dma_start3A_50 = arith.constant 1 : i32
    %dma_start3A_51 = arith.constant 1 : i32
    %dma_start3A_52 = arith.constant 0 : i32
    %dma_start3A_53 = arith.constant 0 : i32
    %dma_start3A_54 = tpu.memref_slice %arg14[%dma_start3A_51, %dma_start3A_52, %dma_start3A_53] : memref<2x128x64xbf16, #tpu.memory_space<vmem>> -> memref<1x128x64xbf16, #tpu.memory_space<vmem>>
    %dma_start3A_55 = tpu.memref_squeeze %dma_start3A_54 : memref<1x128x64xbf16, #tpu.memory_space<vmem>> -> memref<128x64xbf16, #tpu.memory_space<vmem>>
    %dma_start3A_56 = arith.constant 0 : i32
    %dma_start3A_57 = tpu.memref_slice %arg10[%dma_start3A_50, %dma_start3A_56] : memref<32x128xi32, #tpu.memory_space<vmem>> -> memref<1x128xi32, #tpu.memory_space<vmem>>
    %dma_start3A_58 = tpu.memref_squeeze %dma_start3A_57 : memref<1x128xi32, #tpu.memory_space<vmem>> -> memref<128xi32, #tpu.memory_space<vmem>>
    %dma_start3A_59 = arith.constant 0 : i32
    %dma_start3A_60 = arith.constant 0 : i32
    %dma_start3A_61 = tpu.memref_slice %arg6[%dma_start3A_59, %dma_start3A_60] : memref<50000x64xbf16, #tpu.memory_space<hbm>> -> memref<50000x64xbf16, #tpu.memory_space<hbm>>
    tpu.enqueue_indirect_dma source(%dma_start3A_61 : memref<50000x64xbf16, #tpu.memory_space<hbm>>) target(%dma_start3A_55 : memref<128x64xbf16, #tpu.memory_space<vmem>>) offsets(%dma_start3A_58 : memref<128xi32, #tpu.memory_space<vmem>>) semaphore(%arg20 : memref<!tpu.dma_semaphore, #tpu.memory_space<semaphore_mem>>)
    %dma_start3A_62 = arith.constant 1 : i32
    %dma_start3A_63 = arith.constant 1 : i32
    %dma_start3A_64 = arith.constant 0 : i32
    %dma_start3A_65 = arith.constant 0 : i32
    %dma_start3A_66 = tpu.memref_slice %arg15[%dma_start3A_63, %dma_start3A_64, %dma_start3A_65] : memref<2x128x64xbf16, #tpu.memory_space<vmem>> -> memref<1x128x64xbf16, #tpu.memory_space<vmem>>
    %dma_start3A_67 = tpu.memref_squeeze %dma_start3A_66 : memref<1x128x64xbf16, #tpu.memory_space<vmem>> -> memref<128x64xbf16, #tpu.memory_space<vmem>>
    %dma_start3A_68 = arith.constant 0 : i32
    %dma_start3A_69 = tpu.memref_slice %arg11[%dma_start3A_62, %dma_start3A_68] : memref<32x128xi32, #tpu.memory_space<vmem>> -> memref<1x128xi32, #tpu.memory_space<vmem>>
    %dma_start3A_70 = tpu.memref_squeeze %dma_start3A_69 : memref<1x128xi32, #tpu.memory_space<vmem>> -> memref<128xi32, #tpu.memory_space<vmem>>
    %dma_start3A_71 = arith.constant 0 : i32
    %dma_start3A_72 = arith.constant 0 : i32
    %dma_start3A_73 = tpu.memref_slice %arg6[%dma_start3A_71, %dma_start3A_72] : memref<50000x64xbf16, #tpu.memory_space<hbm>> -> memref<50000x64xbf16, #tpu.memory_space<hbm>>
    tpu.enqueue_indirect_dma source(%dma_start3A_73 : memref<50000x64xbf16, #tpu.memory_space<hbm>>) target(%dma_start3A_67 : memref<128x64xbf16, #tpu.memory_space<vmem>>) offsets(%dma_start3A_70 : memref<128xi32, #tpu.memory_space<vmem>>) semaphore(%arg20 : memref<!tpu.dma_semaphore, #tpu.memory_space<semaphore_mem>>)
    %dma_start3A_74 = arith.constant 1 : i32
    %dma_start3A_75 = arith.constant 1 : i32
    %dma_start3A_76 = arith.constant 0 : i32
    %dma_start3A_77 = arith.constant 0 : i32
    %dma_start3A_78 = tpu.memref_slice %arg16[%dma_start3A_75, %dma_start3A_76, %dma_start3A_77] : memref<2x128x64xbf16, #tpu.memory_space<vmem>> -> memref<1x128x64xbf16, #tpu.memory_space<vmem>>
    %dma_start3A_79 = tpu.memref_squeeze %dma_start3A_78 : memref<1x128x64xbf16, #tpu.memory_space<vmem>> -> memref<128x64xbf16, #tpu.memory_space<vmem>>
    %dma_start3A_80 = arith.constant 0 : i32
    %dma_start3A_81 = tpu.memref_slice %arg12[%dma_start3A_74, %dma_start3A_80] : memref<32x128xi32, #tpu.memory_space<vmem>> -> memref<1x128xi32, #tpu.memory_space<vmem>>
    %dma_start3A_82 = tpu.memref_squeeze %dma_start3A_81 : memref<1x128xi32, #tpu.memory_space<vmem>> -> memref<128xi32, #tpu.memory_space<vmem>>
    %dma_start3A_83 = arith.constant 0 : i32
    %dma_start3A_84 = arith.constant 0 : i32
    %dma_start3A_85 = tpu.memref_slice %arg7[%dma_start3A_83, %dma_start3A_84] : memref<1000x64xbf16, #tpu.memory_space<hbm>> -> memref<1000x64xbf16, #tpu.memory_space<hbm>>
    tpu.enqueue_indirect_dma source(%dma_start3A_85 : memref<1000x64xbf16, #tpu.memory_space<hbm>>) target(%dma_start3A_79 : memref<128x64xbf16, #tpu.memory_space<vmem>>) offsets(%dma_start3A_82 : memref<128xi32, #tpu.memory_space<vmem>>) semaphore(%arg20 : memref<!tpu.dma_semaphore, #tpu.memory_space<semaphore_mem>>)
    %scan3A_86 = arith.constant 0 : i32
    %scan3A_87 = arith.constant 16 : i32
    %scan3A_88 = arith.addi %scan3A_86, %scan3A_87 : i32
    %scan3A_89 = arith.constant 1 : i32
    scf.for %scan3A_96 = %scan3A_86 to %scan3A_88 step %scan3A_89  : i32 {
      %mul3A_97 = arith.constant 2 : i32
      %mul3A_98 = arith.muli %scan3A_96, %mul3A_97 : i32
      %add3A_99 = arith.constant 0 : i32
      %add3A_100 = arith.addi %add3A_99, %mul3A_98 : i32
      %add3A_101 = arith.constant 0 : i32
      %add3A_102 = arith.addi %add3A_100, %add3A_101 : i32
      %dma_wait3A = arith.constant 0 : i32
      %dma_wait3A_103 = arith.constant 0 : i32
      %dma_wait3A_104 = arith.constant 0 : i32
      %dma_wait3A_105 = tpu.memref_slice %arg14[%dma_wait3A, %dma_wait3A_103, %dma_wait3A_104] : memref<2x128x64xbf16, #tpu.memory_space<vmem>> -> memref<1x128x64xbf16, #tpu.memory_space<vmem>>
      %dma_wait3A_106 = tpu.memref_squeeze %dma_wait3A_105 : memref<1x128x64xbf16, #tpu.memory_space<vmem>> -> memref<128x64xbf16, #tpu.memory_space<vmem>>
      %dma_wait3A_107 = arith.constant 0 : i32
      %dma_wait3A_108 = tpu.memref_slice %arg10[%add3A_102, %dma_wait3A_107] : memref<32x128xi32, #tpu.memory_space<vmem>> -> memref<1x128xi32, #tpu.memory_space<vmem>>
      %dma_wait3A_109 = tpu.memref_squeeze %dma_wait3A_108 : memref<1x128xi32, #tpu.memory_space<vmem>> -> memref<128xi32, #tpu.memory_space<vmem>>
      %dma_wait3A_110 = arith.constant 0 : i32
      %dma_wait3A_111 = arith.constant 0 : i32
      %dma_wait3A_112 = tpu.memref_slice %arg6[%dma_wait3A_110, %dma_wait3A_111] : memref<50000x64xbf16, #tpu.memory_space<hbm>> -> memref<50000x64xbf16, #tpu.memory_space<hbm>>
      tpu.wait_indirect_dma semaphore(%arg19 : memref<!tpu.dma_semaphore, #tpu.memory_space<semaphore_mem>>) src(%dma_wait3A_112 : memref<50000x64xbf16, #tpu.memory_space<hbm>>) dst(%dma_wait3A_106 : memref<128x64xbf16, #tpu.memory_space<vmem>>)
      %dma_wait3A_113 = arith.constant 0 : i32
      %dma_wait3A_114 = arith.constant 0 : i32
      %dma_wait3A_115 = arith.constant 0 : i32
      %dma_wait3A_116 = tpu.memref_slice %arg15[%dma_wait3A_113, %dma_wait3A_114, %dma_wait3A_115] : memref<2x128x64xbf16, #tpu.memory_space<vmem>> -> memref<1x128x64xbf16, #tpu.memory_space<vmem>>
      %dma_wait3A_117 = tpu.memref_squeeze %dma_wait3A_116 : memref<1x128x64xbf16, #tpu.memory_space<vmem>> -> memref<128x64xbf16, #tpu.memory_space<vmem>>
      %dma_wait3A_118 = arith.constant 0 : i32
      %dma_wait3A_119 = tpu.memref_slice %arg11[%add3A_102, %dma_wait3A_118] : memref<32x128xi32, #tpu.memory_space<vmem>> -> memref<1x128xi32, #tpu.memory_space<vmem>>
      %dma_wait3A_120 = tpu.memref_squeeze %dma_wait3A_119 : memref<1x128xi32, #tpu.memory_space<vmem>> -> memref<128xi32, #tpu.memory_space<vmem>>
      %dma_wait3A_121 = arith.constant 0 : i32
      %dma_wait3A_122 = arith.constant 0 : i32
      %dma_wait3A_123 = tpu.memref_slice %arg6[%dma_wait3A_121, %dma_wait3A_122] : memref<50000x64xbf16, #tpu.memory_space<hbm>> -> memref<50000x64xbf16, #tpu.memory_space<hbm>>
      tpu.wait_indirect_dma semaphore(%arg19 : memref<!tpu.dma_semaphore, #tpu.memory_space<semaphore_mem>>) src(%dma_wait3A_123 : memref<50000x64xbf16, #tpu.memory_space<hbm>>) dst(%dma_wait3A_117 : memref<128x64xbf16, #tpu.memory_space<vmem>>)
      %dma_wait3A_124 = arith.constant 0 : i32
      %dma_wait3A_125 = arith.constant 0 : i32
      %dma_wait3A_126 = arith.constant 0 : i32
      %dma_wait3A_127 = tpu.memref_slice %arg16[%dma_wait3A_124, %dma_wait3A_125, %dma_wait3A_126] : memref<2x128x64xbf16, #tpu.memory_space<vmem>> -> memref<1x128x64xbf16, #tpu.memory_space<vmem>>
      %dma_wait3A_128 = tpu.memref_squeeze %dma_wait3A_127 : memref<1x128x64xbf16, #tpu.memory_space<vmem>> -> memref<128x64xbf16, #tpu.memory_space<vmem>>
      %dma_wait3A_129 = arith.constant 0 : i32
      %dma_wait3A_130 = tpu.memref_slice %arg12[%add3A_102, %dma_wait3A_129] : memref<32x128xi32, #tpu.memory_space<vmem>> -> memref<1x128xi32, #tpu.memory_space<vmem>>
      %dma_wait3A_131 = tpu.memref_squeeze %dma_wait3A_130 : memref<1x128xi32, #tpu.memory_space<vmem>> -> memref<128xi32, #tpu.memory_space<vmem>>
      %dma_wait3A_132 = arith.constant 0 : i32
      %dma_wait3A_133 = arith.constant 0 : i32
      %dma_wait3A_134 = tpu.memref_slice %arg7[%dma_wait3A_132, %dma_wait3A_133] : memref<1000x64xbf16, #tpu.memory_space<hbm>> -> memref<1000x64xbf16, #tpu.memory_space<hbm>>
      tpu.wait_indirect_dma semaphore(%arg19 : memref<!tpu.dma_semaphore, #tpu.memory_space<semaphore_mem>>) src(%dma_wait3A_134 : memref<1000x64xbf16, #tpu.memory_space<hbm>>) dst(%dma_wait3A_128 : memref<128x64xbf16, #tpu.memory_space<vmem>>)
      %scan3A_135 = arith.constant 0 : i32
      %scan3A_136 = arith.constant 128 : i32
      %scan3A_137 = arith.addi %scan3A_135, %scan3A_136 : i32
      %scan3A_138 = arith.constant 1 : i32
      scf.for %scan3A_194 = %scan3A_135 to %scan3A_137 step %scan3A_138  : i32 {
        %mul3A_195 = arith.constant 1 : i32
        %mul3A_196 = arith.muli %scan3A_194, %mul3A_195 : i32
        %add3A_197 = arith.constant 0 : i32
        %add3A_198 = arith.addi %add3A_197, %mul3A_196 : i32
        %get3A = arith.constant 0 : i32
        %get3A_199 = arith.index_cast %get3A : i32 to index
        %get3A_200 = arith.index_cast %add3A_198 : i32 to index
        %get3A_201 = arith.constant 0 : index
        %get3A_202 = tpu.vector_load %arg14[%get3A_199, %get3A_200, %get3A_201] {strides = array<i32>} : memref<2x128x64xbf16, #tpu.memory_space<vmem>>, vector<32xbf16>,
        %get3A_203 = arith.constant 0 : i32
        %get3A_204 = arith.index_cast %get3A_203 : i32 to index
        %get3A_205 = arith.index_cast %add3A_198 : i32 to index
        %get3A_206 = arith.constant 0 : index
        %get3A_207 = tpu.vector_load %arg16[%get3A_204, %get3A_205, %get3A_206] {strides = array<i32>} : memref<2x128x64xbf16, #tpu.memory_space<vmem>>, vector<32xbf16>,
        %add3A_208 = arith.addf %get3A_202, %get3A_207 : vector<32xbf16>
        %get3A_209 = arith.constant 0 : i32
        %get3A_210 = arith.index_cast %get3A_209 : i32 to index
        %get3A_211 = arith.index_cast %add3A_198 : i32 to index
        %get3A_212 = arith.constant 0 : index
        %get3A_213 = tpu.vector_load %arg15[%get3A_210, %get3A_211, %get3A_212] {strides = array<i32>} : memref<2x128x64xbf16, #tpu.memory_space<vmem>>, vector<32xbf16>,
        %sub3A = arith.subf %add3A_208, %get3A_213 : vector<32xbf16>
        %get3A_214 = arith.constant 0 : i32
        %get3A_215 = arith.index_cast %get3A_214 : i32 to index
        %get3A_216 = arith.index_cast %add3A_198 : i32 to index
        %get3A_217 = arith.constant 32 : index
        %get3A_218 = tpu.vector_load %arg14[%get3A_215, %get3A_216, %get3A_217] {strides = array<i32>} : memref<2x128x64xbf16, #tpu.memory_space<vmem>>, vector<32xbf16>,
        %get3A_219 = arith.constant 0 : i32
        %get3A_220 = arith.index_cast %get3A_219 : i32 to index
        %get3A_221 = arith.index_cast %add3A_198 : i32 to index
        %get3A_222 = arith.constant 32 : index
        %get3A_223 = tpu.vector_load %arg16[%get3A_220, %get3A_221, %get3A_222] {strides = array<i32>} : memref<2x128x64xbf16, #tpu.memory_space<vmem>>, vector<32xbf16>,
        %add3A_224 = arith.addf %get3A_218, %get3A_223 : vector<32xbf16>
        %get3A_225 = arith.constant 0 : i32
        %get3A_226 = arith.index_cast %get3A_225 : i32 to index
        %get3A_227 = arith.index_cast %add3A_198 : i32 to index
        %get3A_228 = arith.constant 32 : index
        %get3A_229 = tpu.vector_load %arg15[%get3A_226, %get3A_227, %get3A_228] {strides = array<i32>} : memref<2x128x64xbf16, #tpu.memory_space<vmem>>, vector<32xbf16>,
        %sub3A_230 = arith.subf %add3A_224, %get3A_229 : vector<32xbf16>
        %mul3A_231 = arith.mulf %sub3A, %sub3A : vector<32xbf16>
        %mul3A_232 = arith.mulf %sub3A_230, %sub3A_230 : vector<32xbf16>
        %add3A_233 = arith.addf %mul3A_231, %mul3A_232 : vector<32xbf16>
        %unpack3A = tpu.unpack_subelements %add3A_233, 0 {pack_format = #tpu.pack_format<interleaved>} : vector<32xbf16> -> vector<16xf32>
        %unpack3A_234 = tpu.unpack_subelements %add3A_233, 1 {pack_format = #tpu.pack_format<interleaved>} : vector<32xbf16> -> vector<16xf32>
        %add3A_235 = arith.addf %unpack3A, %unpack3A_234 : vector<16xf32>
        %neg3A = arith.constant 0.000000e+00 : f32
        %neg3A_236 = vector.broadcast %neg3A : f32 to vector<16xf32>
        %neg3A_237 = arith.subf %neg3A_236, %add3A_235 : vector<16xf32>
        %swap3A = arith.constant 0 : i32
        %swap3A_238 = arith.index_cast %swap3A : i32 to index
        %swap3A_239 = arith.index_cast %add3A_198 : i32 to index
        %swap3A_240 = arith.constant 0 : index
        %swap3A_241 = tpu.vector_load %arg17[%swap3A_238, %swap3A_239, %swap3A_240] {strides = array<i32>} : memref<2x128x32xf32, #tpu.memory_space<vmem>>, vector<16xf32>,
        tpu.vector_store %arg17[%swap3A_238, %swap3A_239, %swap3A_240], %neg3A_237 {strides = array<i32>} : memref<2x128x32xf32, #tpu.memory_space<vmem>>, vector<16xf32>,
      }
      %scan3A_139 = arith.constant 128 : i32
      %run_scoped3A = arith.constant 0 : i32
      "tpu.region"() ({
        %run_scoped3A_194 = tpu.sem_alloc : memref<!tpu.dma_semaphore, #tpu.memory_space<semaphore_mem>>
        %dma_start3A_195 = arith.constant 0 : i32
        %dma_start3A_196 = arith.constant 0 : i32
        %dma_start3A_197 = tpu.memref_slice %arg17[%run_scoped3A, %dma_start3A_195, %dma_start3A_196] : memref<2x128x32xf32, #tpu.memory_space<vmem>> -> memref<1x128x32xf32, #tpu.memory_space<vmem>>
        %dma_start3A_198 = tpu.memref_squeeze %dma_start3A_197 : memref<1x128x32xf32, #tpu.memory_space<vmem>> -> memref<128x32xf32, #tpu.memory_space<vmem>>
        %dma_start3A_199 = arith.constant 0 : i32
        %dma_start3A_200 = tpu.memref_slice %arg13[%add3A_102, %dma_start3A_199] : memref<32x128xi32, #tpu.memory_space<vmem>> -> memref<1x128xi32, #tpu.memory_space<vmem>>
        %dma_start3A_201 = tpu.memref_squeeze %dma_start3A_200 : memref<1x128xi32, #tpu.memory_space<vmem>> -> memref<128xi32, #tpu.memory_space<vmem>>
        %dma_start3A_202 = arith.constant 0 : i32
        %dma_start3A_203 = arith.constant 0 : i32
        %dma_start3A_204 = tpu.memref_slice %arg18[%dma_start3A_202, %dma_start3A_203] : memref<4096x32xf32, #tpu.memory_space<vmem_shared>> -> memref<4096x32xf32, #tpu.memory_space<vmem_shared>>
        tpu.enqueue_indirect_dma source(%dma_start3A_198 : memref<128x32xf32, #tpu.memory_space<vmem>>) target(%dma_start3A_204 : memref<4096x32xf32, #tpu.memory_space<vmem_shared>>) offsets(%dma_start3A_201 : memref<128xi32, #tpu.memory_space<vmem>>) semaphore(%run_scoped3A_194 : memref<!tpu.dma_semaphore, #tpu.memory_space<semaphore_mem>>) {add = true}
        %dma_wait3A_205 = arith.constant 0 : i32
        %dma_wait3A_206 = arith.constant 0 : i32
        %dma_wait3A_207 = tpu.memref_slice %arg17[%run_scoped3A, %dma_wait3A_205, %dma_wait3A_206] : memref<2x128x32xf32, #tpu.memory_space<vmem>> -> memref<1x128x32xf32, #tpu.memory_space<vmem>>
        %dma_wait3A_208 = tpu.memref_squeeze %dma_wait3A_207 : memref<1x128x32xf32, #tpu.memory_space<vmem>> -> memref<128x32xf32, #tpu.memory_space<vmem>>
        %dma_wait3A_209 = arith.constant 0 : i32
        %dma_wait3A_210 = tpu.memref_slice %arg13[%add3A_102, %dma_wait3A_209] : memref<32x128xi32, #tpu.memory_space<vmem>> -> memref<1x128xi32, #tpu.memory_space<vmem>>
        %dma_wait3A_211 = tpu.memref_squeeze %dma_wait3A_210 : memref<1x128xi32, #tpu.memory_space<vmem>> -> memref<128xi32, #tpu.memory_space<vmem>>
        %dma_wait3A_212 = arith.constant 0 : i32
        %dma_wait3A_213 = arith.constant 0 : i32
        %dma_wait3A_214 = tpu.memref_slice %arg18[%dma_wait3A_212, %dma_wait3A_213] : memref<4096x32xf32, #tpu.memory_space<vmem_shared>> -> memref<4096x32xf32, #tpu.memory_space<vmem_shared>>
        tpu.wait_indirect_dma semaphore(%run_scoped3A_194 : memref<!tpu.dma_semaphore, #tpu.memory_space<semaphore_mem>>) src(%dma_wait3A_208 : memref<128x32xf32, #tpu.memory_space<vmem>>) dst(%dma_wait3A_214 : memref<4096x32xf32, #tpu.memory_space<vmem_shared>>)
        tpu.yield
      }) : () -> ()
      %add3A_140 = arith.constant 2 : i32
      %add3A_141 = arith.addi %add3A_102, %add3A_140 : i32
      %lt3A = arith.constant 32 : i32
      %lt3A_142 = arith.cmpi slt, %add3A_141, %lt3A : i32
      %convert_element_type3A_143 = arith.extui %lt3A_142 : i1 to i32
      %cond3A_144 = arith.constant 0 : i32
      %cond3A_145 = arith.cmpi ne, %convert_element_type3A_143, %cond3A_144 : i32
      scf.if %cond3A_145 {
        %add3A_194 = arith.constant 2 : i32
        %add3A_195 = arith.addi %add3A_102, %add3A_194 : i32
        %dma_start3A_196 = arith.constant 0 : i32
        %dma_start3A_197 = arith.constant 0 : i32
        %dma_start3A_198 = arith.constant 0 : i32
        %dma_start3A_199 = tpu.memref_slice %arg14[%dma_start3A_196, %dma_start3A_197, %dma_start3A_198] : memref<2x128x64xbf16, #tpu.memory_space<vmem>> -> memref<1x128x64xbf16, #tpu.memory_space<vmem>>
        %dma_start3A_200 = tpu.memref_squeeze %dma_start3A_199 : memref<1x128x64xbf16, #tpu.memory_space<vmem>> -> memref<128x64xbf16, #tpu.memory_space<vmem>>
        %dma_start3A_201 = arith.constant 0 : i32
        %dma_start3A_202 = tpu.memref_slice %arg10[%add3A_195, %dma_start3A_201] : memref<32x128xi32, #tpu.memory_space<vmem>> -> memref<1x128xi32, #tpu.memory_space<vmem>>
        %dma_start3A_203 = tpu.memref_squeeze %dma_start3A_202 : memref<1x128xi32, #tpu.memory_space<vmem>> -> memref<128xi32, #tpu.memory_space<vmem>>
        %dma_start3A_204 = arith.constant 0 : i32
        %dma_start3A_205 = arith.constant 0 : i32
        %dma_start3A_206 = tpu.memref_slice %arg6[%dma_start3A_204, %dma_start3A_205] : memref<50000x64xbf16, #tpu.memory_space<hbm>> -> memref<50000x64xbf16, #tpu.memory_space<hbm>>
        tpu.enqueue_indirect_dma source(%dma_start3A_206 : memref<50000x64xbf16, #tpu.memory_space<hbm>>) target(%dma_start3A_200 : memref<128x64xbf16, #tpu.memory_space<vmem>>) offsets(%dma_start3A_203 : memref<128xi32, #tpu.memory_space<vmem>>) semaphore(%arg19 : memref<!tpu.dma_semaphore, #tpu.memory_space<semaphore_mem>>)
        %dma_start3A_207 = arith.constant 0 : i32
        %dma_start3A_208 = arith.constant 0 : i32
        %dma_start3A_209 = arith.constant 0 : i32
        %dma_start3A_210 = tpu.memref_slice %arg15[%dma_start3A_207, %dma_start3A_208, %dma_start3A_209] : memref<2x128x64xbf16, #tpu.memory_space<vmem>> -> memref<1x128x64xbf16, #tpu.memory_space<vmem>>
        %dma_start3A_211 = tpu.memref_squeeze %dma_start3A_210 : memref<1x128x64xbf16, #tpu.memory_space<vmem>> -> memref<128x64xbf16, #tpu.memory_space<vmem>>
        %dma_start3A_212 = arith.constant 0 : i32
        %dma_start3A_213 = tpu.memref_slice %arg11[%add3A_195, %dma_start3A_212] : memref<32x128xi32, #tpu.memory_space<vmem>> -> memref<1x128xi32, #tpu.memory_space<vmem>>
        %dma_start3A_214 = tpu.memref_squeeze %dma_start3A_213 : memref<1x128xi32, #tpu.memory_space<vmem>> -> memref<128xi32, #tpu.memory_space<vmem>>
        %dma_start3A_215 = arith.constant 0 : i32
        %dma_start3A_216 = arith.constant 0 : i32
        %dma_start3A_217 = tpu.memref_slice %arg6[%dma_start3A_215, %dma_start3A_216] : memref<50000x64xbf16, #tpu.memory_space<hbm>> -> memref<50000x64xbf16, #tpu.memory_space<hbm>>
        tpu.enqueue_indirect_dma source(%dma_start3A_217 : memref<50000x64xbf16, #tpu.memory_space<hbm>>) target(%dma_start3A_211 : memref<128x64xbf16, #tpu.memory_space<vmem>>) offsets(%dma_start3A_214 : memref<128xi32, #tpu.memory_space<vmem>>) semaphore(%arg19 : memref<!tpu.dma_semaphore, #tpu.memory_space<semaphore_mem>>)
        %dma_start3A_218 = arith.constant 0 : i32
        %dma_start3A_219 = arith.constant 0 : i32
        %dma_start3A_220 = arith.constant 0 : i32
        %dma_start3A_221 = tpu.memref_slice %arg16[%dma_start3A_218, %dma_start3A_219, %dma_start3A_220] : memref<2x128x64xbf16, #tpu.memory_space<vmem>> -> memref<1x128x64xbf16, #tpu.memory_space<vmem>>
        %dma_start3A_222 = tpu.memref_squeeze %dma_start3A_221 : memref<1x128x64xbf16, #tpu.memory_space<vmem>> -> memref<128x64xbf16, #tpu.memory_space<vmem>>
        %dma_start3A_223 = arith.constant 0 : i32
        %dma_start3A_224 = tpu.memref_slice %arg12[%add3A_195, %dma_start3A_223] : memref<32x128xi32, #tpu.memory_space<vmem>> -> memref<1x128xi32, #tpu.memory_space<vmem>>
        %dma_start3A_225 = tpu.memref_squeeze %dma_start3A_224 : memref<1x128xi32, #tpu.memory_space<vmem>> -> memref<128xi32, #tpu.memory_space<vmem>>
        %dma_start3A_226 = arith.constant 0 : i32
        %dma_start3A_227 = arith.constant 0 : i32
        %dma_start3A_228 = tpu.memref_slice %arg7[%dma_start3A_226, %dma_start3A_227] : memref<1000x64xbf16, #tpu.memory_space<hbm>> -> memref<1000x64xbf16, #tpu.memory_space<hbm>>
        tpu.enqueue_indirect_dma source(%dma_start3A_228 : memref<1000x64xbf16, #tpu.memory_space<hbm>>) target(%dma_start3A_222 : memref<128x64xbf16, #tpu.memory_space<vmem>>) offsets(%dma_start3A_225 : memref<128xi32, #tpu.memory_space<vmem>>) semaphore(%arg19 : memref<!tpu.dma_semaphore, #tpu.memory_space<semaphore_mem>>)
      } else {
      }
      %add3A_146 = arith.constant 1 : i32
      %add3A_147 = arith.addi %add3A_100, %add3A_146 : i32
      %dma_wait3A_148 = arith.constant 1 : i32
      %dma_wait3A_149 = arith.constant 0 : i32
      %dma_wait3A_150 = arith.constant 0 : i32
      %dma_wait3A_151 = tpu.memref_slice %arg14[%dma_wait3A_148, %dma_wait3A_149, %dma_wait3A_150] : memref<2x128x64xbf16, #tpu.memory_space<vmem>> -> memref<1x128x64xbf16, #tpu.memory_space<vmem>>
      %dma_wait3A_152 = tpu.memref_squeeze %dma_wait3A_151 : memref<1x128x64xbf16, #tpu.memory_space<vmem>> -> memref<128x64xbf16, #tpu.memory_space<vmem>>
      %dma_wait3A_153 = arith.constant 0 : i32
      %dma_wait3A_154 = tpu.memref_slice %arg10[%add3A_147, %dma_wait3A_153] : memref<32x128xi32, #tpu.memory_space<vmem>> -> memref<1x128xi32, #tpu.memory_space<vmem>>
      %dma_wait3A_155 = tpu.memref_squeeze %dma_wait3A_154 : memref<1x128xi32, #tpu.memory_space<vmem>> -> memref<128xi32, #tpu.memory_space<vmem>>
      %dma_wait3A_156 = arith.constant 0 : i32
      %dma_wait3A_157 = arith.constant 0 : i32
      %dma_wait3A_158 = tpu.memref_slice %arg6[%dma_wait3A_156, %dma_wait3A_157] : memref<50000x64xbf16, #tpu.memory_space<hbm>> -> memref<50000x64xbf16, #tpu.memory_space<hbm>>
      tpu.wait_indirect_dma semaphore(%arg20 : memref<!tpu.dma_semaphore, #tpu.memory_space<semaphore_mem>>) src(%dma_wait3A_158 : memref<50000x64xbf16, #tpu.memory_space<hbm>>) dst(%dma_wait3A_152 : memref<128x64xbf16, #tpu.memory_space<vmem>>)
      %dma_wait3A_159 = arith.constant 1 : i32
      %dma_wait3A_160 = arith.constant 0 : i32
      %dma_wait3A_161 = arith.constant 0 : i32
      %dma_wait3A_162 = tpu.memref_slice %arg15[%dma_wait3A_159, %dma_wait3A_160, %dma_wait3A_161] : memref<2x128x64xbf16, #tpu.memory_space<vmem>> -> memref<1x128x64xbf16, #tpu.memory_space<vmem>>
      %dma_wait3A_163 = tpu.memref_squeeze %dma_wait3A_162 : memref<1x128x64xbf16, #tpu.memory_space<vmem>> -> memref<128x64xbf16, #tpu.memory_space<vmem>>
      %dma_wait3A_164 = arith.constant 0 : i32
      %dma_wait3A_165 = tpu.memref_slice %arg11[%add3A_147, %dma_wait3A_164] : memref<32x128xi32, #tpu.memory_space<vmem>> -> memref<1x128xi32, #tpu.memory_space<vmem>>
      %dma_wait3A_166 = tpu.memref_squeeze %dma_wait3A_165 : memref<1x128xi32, #tpu.memory_space<vmem>> -> memref<128xi32, #tpu.memory_space<vmem>>
      %dma_wait3A_167 = arith.constant 0 : i32
      %dma_wait3A_168 = arith.constant 0 : i32
      %dma_wait3A_169 = tpu.memref_slice %arg6[%dma_wait3A_167, %dma_wait3A_168] : memref<50000x64xbf16, #tpu.memory_space<hbm>> -> memref<50000x64xbf16, #tpu.memory_space<hbm>>
      tpu.wait_indirect_dma semaphore(%arg20 : memref<!tpu.dma_semaphore, #tpu.memory_space<semaphore_mem>>) src(%dma_wait3A_169 : memref<50000x64xbf16, #tpu.memory_space<hbm>>) dst(%dma_wait3A_163 : memref<128x64xbf16, #tpu.memory_space<vmem>>)
      %dma_wait3A_170 = arith.constant 1 : i32
      %dma_wait3A_171 = arith.constant 0 : i32
      %dma_wait3A_172 = arith.constant 0 : i32
      %dma_wait3A_173 = tpu.memref_slice %arg16[%dma_wait3A_170, %dma_wait3A_171, %dma_wait3A_172] : memref<2x128x64xbf16, #tpu.memory_space<vmem>> -> memref<1x128x64xbf16, #tpu.memory_space<vmem>>
      %dma_wait3A_174 = tpu.memref_squeeze %dma_wait3A_173 : memref<1x128x64xbf16, #tpu.memory_space<vmem>> -> memref<128x64xbf16, #tpu.memory_space<vmem>>
      %dma_wait3A_175 = arith.constant 0 : i32
      %dma_wait3A_176 = tpu.memref_slice %arg12[%add3A_147, %dma_wait3A_175] : memref<32x128xi32, #tpu.memory_space<vmem>> -> memref<1x128xi32, #tpu.memory_space<vmem>>
      %dma_wait3A_177 = tpu.memref_squeeze %dma_wait3A_176 : memref<1x128xi32, #tpu.memory_space<vmem>> -> memref<128xi32, #tpu.memory_space<vmem>>
      %dma_wait3A_178 = arith.constant 0 : i32
      %dma_wait3A_179 = arith.constant 0 : i32
      %dma_wait3A_180 = tpu.memref_slice %arg7[%dma_wait3A_178, %dma_wait3A_179] : memref<1000x64xbf16, #tpu.memory_space<hbm>> -> memref<1000x64xbf16, #tpu.memory_space<hbm>>
      tpu.wait_indirect_dma semaphore(%arg20 : memref<!tpu.dma_semaphore, #tpu.memory_space<semaphore_mem>>) src(%dma_wait3A_180 : memref<1000x64xbf16, #tpu.memory_space<hbm>>) dst(%dma_wait3A_174 : memref<128x64xbf16, #tpu.memory_space<vmem>>)
      %scan3A_181 = arith.constant 0 : i32
      %scan3A_182 = arith.constant 128 : i32
      %scan3A_183 = arith.addi %scan3A_181, %scan3A_182 : i32
      %scan3A_184 = arith.constant 1 : i32
      scf.for %scan3A_194 = %scan3A_181 to %scan3A_183 step %scan3A_184  : i32 {
        %mul3A_195 = arith.constant 1 : i32
        %mul3A_196 = arith.muli %scan3A_194, %mul3A_195 : i32
        %add3A_197 = arith.constant 0 : i32
        %add3A_198 = arith.addi %add3A_197, %mul3A_196 : i32
        %get3A = arith.constant 1 : i32
        %get3A_199 = arith.index_cast %get3A : i32 to index
        %get3A_200 = arith.index_cast %add3A_198 : i32 to index
        %get3A_201 = arith.constant 0 : index
        %get3A_202 = tpu.vector_load %arg14[%get3A_199, %get3A_200, %get3A_201] {strides = array<i32>} : memref<2x128x64xbf16, #tpu.memory_space<vmem>>, vector<32xbf16>,
        %get3A_203 = arith.constant 1 : i32
        %get3A_204 = arith.index_cast %get3A_203 : i32 to index
        %get3A_205 = arith.index_cast %add3A_198 : i32 to index
        %get3A_206 = arith.constant 0 : index
        %get3A_207 = tpu.vector_load %arg16[%get3A_204, %get3A_205, %get3A_206] {strides = array<i32>} : memref<2x128x64xbf16, #tpu.memory_space<vmem>>, vector<32xbf16>,
        %add3A_208 = arith.addf %get3A_202, %get3A_207 : vector<32xbf16>
        %get3A_209 = arith.constant 1 : i32
        %get3A_210 = arith.index_cast %get3A_209 : i32 to index
        %get3A_211 = arith.index_cast %add3A_198 : i32 to index
        %get3A_212 = arith.constant 0 : index
        %get3A_213 = tpu.vector_load %arg15[%get3A_210, %get3A_211, %get3A_212] {strides = array<i32>} : memref<2x128x64xbf16, #tpu.memory_space<vmem>>, vector<32xbf16>,
        %sub3A = arith.subf %add3A_208, %get3A_213 : vector<32xbf16>
        %get3A_214 = arith.constant 1 : i32
        %get3A_215 = arith.index_cast %get3A_214 : i32 to index
        %get3A_216 = arith.index_cast %add3A_198 : i32 to index
        %get3A_217 = arith.constant 32 : index
        %get3A_218 = tpu.vector_load %arg14[%get3A_215, %get3A_216, %get3A_217] {strides = array<i32>} : memref<2x128x64xbf16, #tpu.memory_space<vmem>>, vector<32xbf16>,
        %get3A_219 = arith.constant 1 : i32
        %get3A_220 = arith.index_cast %get3A_219 : i32 to index
        %get3A_221 = arith.index_cast %add3A_198 : i32 to index
        %get3A_222 = arith.constant 32 : index
        %get3A_223 = tpu.vector_load %arg16[%get3A_220, %get3A_221, %get3A_222] {strides = array<i32>} : memref<2x128x64xbf16, #tpu.memory_space<vmem>>, vector<32xbf16>,
        %add3A_224 = arith.addf %get3A_218, %get3A_223 : vector<32xbf16>
        %get3A_225 = arith.constant 1 : i32
        %get3A_226 = arith.index_cast %get3A_225 : i32 to index
        %get3A_227 = arith.index_cast %add3A_198 : i32 to index
        %get3A_228 = arith.constant 32 : index
        %get3A_229 = tpu.vector_load %arg15[%get3A_226, %get3A_227, %get3A_228] {strides = array<i32>} : memref<2x128x64xbf16, #tpu.memory_space<vmem>>, vector<32xbf16>,
        %sub3A_230 = arith.subf %add3A_224, %get3A_229 : vector<32xbf16>
        %mul3A_231 = arith.mulf %sub3A, %sub3A : vector<32xbf16>
        %mul3A_232 = arith.mulf %sub3A_230, %sub3A_230 : vector<32xbf16>
        %add3A_233 = arith.addf %mul3A_231, %mul3A_232 : vector<32xbf16>
        %unpack3A = tpu.unpack_subelements %add3A_233, 0 {pack_format = #tpu.pack_format<interleaved>} : vector<32xbf16> -> vector<16xf32>
        %unpack3A_234 = tpu.unpack_subelements %add3A_233, 1 {pack_format = #tpu.pack_format<interleaved>} : vector<32xbf16> -> vector<16xf32>
        %add3A_235 = arith.addf %unpack3A, %unpack3A_234 : vector<16xf32>
        %neg3A = arith.constant 0.000000e+00 : f32
        %neg3A_236 = vector.broadcast %neg3A : f32 to vector<16xf32>
        %neg3A_237 = arith.subf %neg3A_236, %add3A_235 : vector<16xf32>
        %swap3A = arith.constant 1 : i32
        %swap3A_238 = arith.index_cast %swap3A : i32 to index
        %swap3A_239 = arith.index_cast %add3A_198 : i32 to index
        %swap3A_240 = arith.constant 0 : index
        %swap3A_241 = tpu.vector_load %arg17[%swap3A_238, %swap3A_239, %swap3A_240] {strides = array<i32>} : memref<2x128x32xf32, #tpu.memory_space<vmem>>, vector<16xf32>,
        tpu.vector_store %arg17[%swap3A_238, %swap3A_239, %swap3A_240], %neg3A_237 {strides = array<i32>} : memref<2x128x32xf32, #tpu.memory_space<vmem>>, vector<16xf32>,
      }
      %scan3A_185 = arith.constant 128 : i32
      %run_scoped3A_186 = arith.constant 1 : i32
      "tpu.region"() ({
        %run_scoped3A_194 = tpu.sem_alloc : memref<!tpu.dma_semaphore, #tpu.memory_space<semaphore_mem>>
        %dma_start3A_195 = arith.constant 0 : i32
        %dma_start3A_196 = arith.constant 0 : i32
        %dma_start3A_197 = tpu.memref_slice %arg17[%run_scoped3A_186, %dma_start3A_195, %dma_start3A_196] : memref<2x128x32xf32, #tpu.memory_space<vmem>> -> memref<1x128x32xf32, #tpu.memory_space<vmem>>
        %dma_start3A_198 = tpu.memref_squeeze %dma_start3A_197 : memref<1x128x32xf32, #tpu.memory_space<vmem>> -> memref<128x32xf32, #tpu.memory_space<vmem>>
        %dma_start3A_199 = arith.constant 0 : i32
        %dma_start3A_200 = tpu.memref_slice %arg13[%add3A_147, %dma_start3A_199] : memref<32x128xi32, #tpu.memory_space<vmem>> -> memref<1x128xi32, #tpu.memory_space<vmem>>
        %dma_start3A_201 = tpu.memref_squeeze %dma_start3A_200 : memref<1x128xi32, #tpu.memory_space<vmem>> -> memref<128xi32, #tpu.memory_space<vmem>>
        %dma_start3A_202 = arith.constant 0 : i32
        %dma_start3A_203 = arith.constant 0 : i32
        %dma_start3A_204 = tpu.memref_slice %arg18[%dma_start3A_202, %dma_start3A_203] : memref<4096x32xf32, #tpu.memory_space<vmem_shared>> -> memref<4096x32xf32, #tpu.memory_space<vmem_shared>>
        tpu.enqueue_indirect_dma source(%dma_start3A_198 : memref<128x32xf32, #tpu.memory_space<vmem>>) target(%dma_start3A_204 : memref<4096x32xf32, #tpu.memory_space<vmem_shared>>) offsets(%dma_start3A_201 : memref<128xi32, #tpu.memory_space<vmem>>) semaphore(%run_scoped3A_194 : memref<!tpu.dma_semaphore, #tpu.memory_space<semaphore_mem>>) {add = true}
        %dma_wait3A_205 = arith.constant 0 : i32
        %dma_wait3A_206 = arith.constant 0 : i32
        %dma_wait3A_207 = tpu.memref_slice %arg17[%run_scoped3A_186, %dma_wait3A_205, %dma_wait3A_206] : memref<2x128x32xf32, #tpu.memory_space<vmem>> -> memref<1x128x32xf32, #tpu.memory_space<vmem>>
        %dma_wait3A_208 = tpu.memref_squeeze %dma_wait3A_207 : memref<1x128x32xf32, #tpu.memory_space<vmem>> -> memref<128x32xf32, #tpu.memory_space<vmem>>
        %dma_wait3A_209 = arith.constant 0 : i32
        %dma_wait3A_210 = tpu.memref_slice %arg13[%add3A_147, %dma_wait3A_209] : memref<32x128xi32, #tpu.memory_space<vmem>> -> memref<1x128xi32, #tpu.memory_space<vmem>>
        %dma_wait3A_211 = tpu.memref_squeeze %dma_wait3A_210 : memref<1x128xi32, #tpu.memory_space<vmem>> -> memref<128xi32, #tpu.memory_space<vmem>>
        %dma_wait3A_212 = arith.constant 0 : i32
        %dma_wait3A_213 = arith.constant 0 : i32
        %dma_wait3A_214 = tpu.memref_slice %arg18[%dma_wait3A_212, %dma_wait3A_213] : memref<4096x32xf32, #tpu.memory_space<vmem_shared>> -> memref<4096x32xf32, #tpu.memory_space<vmem_shared>>
        tpu.wait_indirect_dma semaphore(%run_scoped3A_194 : memref<!tpu.dma_semaphore, #tpu.memory_space<semaphore_mem>>) src(%dma_wait3A_208 : memref<128x32xf32, #tpu.memory_space<vmem>>) dst(%dma_wait3A_214 : memref<4096x32xf32, #tpu.memory_space<vmem_shared>>)
        tpu.yield
      }) : () -> ()
      %add3A_187 = arith.constant 2 : i32
      %add3A_188 = arith.addi %add3A_147, %add3A_187 : i32
      %lt3A_189 = arith.constant 32 : i32
      %lt3A_190 = arith.cmpi slt, %add3A_188, %lt3A_189 : i32
      %convert_element_type3A_191 = arith.extui %lt3A_190 : i1 to i32
      %cond3A_192 = arith.constant 0 : i32
      %cond3A_193 = arith.cmpi ne, %convert_element_type3A_191, %cond3A_192 : i32
      scf.if %cond3A_193 {
        %add3A_194 = arith.constant 2 : i32
        %add3A_195 = arith.addi %add3A_147, %add3A_194 : i32
        %dma_start3A_196 = arith.constant 1 : i32
        %dma_start3A_197 = arith.constant 0 : i32
        %dma_start3A_198 = arith.constant 0 : i32
        %dma_start3A_199 = tpu.memref_slice %arg14[%dma_start3A_196, %dma_start3A_197, %dma_start3A_198] : memref<2x128x64xbf16, #tpu.memory_space<vmem>> -> memref<1x128x64xbf16, #tpu.memory_space<vmem>>
        %dma_start3A_200 = tpu.memref_squeeze %dma_start3A_199 : memref<1x128x64xbf16, #tpu.memory_space<vmem>> -> memref<128x64xbf16, #tpu.memory_space<vmem>>
        %dma_start3A_201 = arith.constant 0 : i32
        %dma_start3A_202 = tpu.memref_slice %arg10[%add3A_195, %dma_start3A_201] : memref<32x128xi32, #tpu.memory_space<vmem>> -> memref<1x128xi32, #tpu.memory_space<vmem>>
        %dma_start3A_203 = tpu.memref_squeeze %dma_start3A_202 : memref<1x128xi32, #tpu.memory_space<vmem>> -> memref<128xi32, #tpu.memory_space<vmem>>
        %dma_start3A_204 = arith.constant 0 : i32
        %dma_start3A_205 = arith.constant 0 : i32
        %dma_start3A_206 = tpu.memref_slice %arg6[%dma_start3A_204, %dma_start3A_205] : memref<50000x64xbf16, #tpu.memory_space<hbm>> -> memref<50000x64xbf16, #tpu.memory_space<hbm>>
        tpu.enqueue_indirect_dma source(%dma_start3A_206 : memref<50000x64xbf16, #tpu.memory_space<hbm>>) target(%dma_start3A_200 : memref<128x64xbf16, #tpu.memory_space<vmem>>) offsets(%dma_start3A_203 : memref<128xi32, #tpu.memory_space<vmem>>) semaphore(%arg20 : memref<!tpu.dma_semaphore, #tpu.memory_space<semaphore_mem>>)
        %dma_start3A_207 = arith.constant 1 : i32
        %dma_start3A_208 = arith.constant 0 : i32
        %dma_start3A_209 = arith.constant 0 : i32
        %dma_start3A_210 = tpu.memref_slice %arg15[%dma_start3A_207, %dma_start3A_208, %dma_start3A_209] : memref<2x128x64xbf16, #tpu.memory_space<vmem>> -> memref<1x128x64xbf16, #tpu.memory_space<vmem>>
        %dma_start3A_211 = tpu.memref_squeeze %dma_start3A_210 : memref<1x128x64xbf16, #tpu.memory_space<vmem>> -> memref<128x64xbf16, #tpu.memory_space<vmem>>
        %dma_start3A_212 = arith.constant 0 : i32
        %dma_start3A_213 = tpu.memref_slice %arg11[%add3A_195, %dma_start3A_212] : memref<32x128xi32, #tpu.memory_space<vmem>> -> memref<1x128xi32, #tpu.memory_space<vmem>>
        %dma_start3A_214 = tpu.memref_squeeze %dma_start3A_213 : memref<1x128xi32, #tpu.memory_space<vmem>> -> memref<128xi32, #tpu.memory_space<vmem>>
        %dma_start3A_215 = arith.constant 0 : i32
        %dma_start3A_216 = arith.constant 0 : i32
        %dma_start3A_217 = tpu.memref_slice %arg6[%dma_start3A_215, %dma_start3A_216] : memref<50000x64xbf16, #tpu.memory_space<hbm>> -> memref<50000x64xbf16, #tpu.memory_space<hbm>>
        tpu.enqueue_indirect_dma source(%dma_start3A_217 : memref<50000x64xbf16, #tpu.memory_space<hbm>>) target(%dma_start3A_211 : memref<128x64xbf16, #tpu.memory_space<vmem>>) offsets(%dma_start3A_214 : memref<128xi32, #tpu.memory_space<vmem>>) semaphore(%arg20 : memref<!tpu.dma_semaphore, #tpu.memory_space<semaphore_mem>>)
        %dma_start3A_218 = arith.constant 1 : i32
        %dma_start3A_219 = arith.constant 0 : i32
        %dma_start3A_220 = arith.constant 0 : i32
        %dma_start3A_221 = tpu.memref_slice %arg16[%dma_start3A_218, %dma_start3A_219, %dma_start3A_220] : memref<2x128x64xbf16, #tpu.memory_space<vmem>> -> memref<1x128x64xbf16, #tpu.memory_space<vmem>>
        %dma_start3A_222 = tpu.memref_squeeze %dma_start3A_221 : memref<1x128x64xbf16, #tpu.memory_space<vmem>> -> memref<128x64xbf16, #tpu.memory_space<vmem>>
        %dma_start3A_223 = arith.constant 0 : i32
        %dma_start3A_224 = tpu.memref_slice %arg12[%add3A_195, %dma_start3A_223] : memref<32x128xi32, #tpu.memory_space<vmem>> -> memref<1x128xi32, #tpu.memory_space<vmem>>
        %dma_start3A_225 = tpu.memref_squeeze %dma_start3A_224 : memref<1x128xi32, #tpu.memory_space<vmem>> -> memref<128xi32, #tpu.memory_space<vmem>>
        %dma_start3A_226 = arith.constant 0 : i32
        %dma_start3A_227 = arith.constant 0 : i32
        %dma_start3A_228 = tpu.memref_slice %arg7[%dma_start3A_226, %dma_start3A_227] : memref<1000x64xbf16, #tpu.memory_space<hbm>> -> memref<1000x64xbf16, #tpu.memory_space<hbm>>
        tpu.enqueue_indirect_dma source(%dma_start3A_228 : memref<1000x64xbf16, #tpu.memory_space<hbm>>) target(%dma_start3A_222 : memref<128x64xbf16, #tpu.memory_space<vmem>>) offsets(%dma_start3A_225 : memref<128xi32, #tpu.memory_space<vmem>>) semaphore(%arg20 : memref<!tpu.dma_semaphore, #tpu.memory_space<semaphore_mem>>)
      } else {
      }
    }
    %scan3A_90 = arith.constant 16 : i32
    %barrier3A_91 = arith.constant 0 : index
    tpu.barrier barrier_id(%barrier3A_91)
    %mul3A_92 = arith.constant 256 : i32
    %mul3A_93 = arith.muli %arg1, %mul3A_92 : i32
    %mul3A_94 = arith.constant 256 : i32
    %mul3A_95 = arith.muli %arg1, %mul3A_94 : i32
    "tpu.region"() ({
      %run_scoped3A = tpu.sem_alloc : memref<!tpu.dma_semaphore, #tpu.memory_space<semaphore_mem>>
      %dma_start3A_96 = arith.constant 0 : i32
      %dma_start3A_97 = tpu.memref_slice %arg9[%arg0, %mul3A_95, %dma_start3A_96] : memref<2x4096x32xf32, #tpu.memory_space<hbm>> -> memref<1x256x32xf32, #tpu.memory_space<hbm>>
      %dma_start3A_98 = tpu.memref_squeeze %dma_start3A_97 : memref<1x256x32xf32, #tpu.memory_space<hbm>> -> memref<256x32xf32, #tpu.memory_space<hbm>>
      %dma_start3A_99 = arith.constant 0 : i32
      %dma_start3A_100 = tpu.memref_slice %arg18[%mul3A_93, %dma_start3A_99] : memref<4096x32xf32, #tpu.memory_space<vmem_shared>> -> memref<256x32xf32, #tpu.memory_space<vmem_shared>>
      tpu.enqueue_dma source(%dma_start3A_100 : memref<256x32xf32, #tpu.memory_space<vmem_shared>>) target(%dma_start3A_98 : memref<256x32xf32, #tpu.memory_space<hbm>>) target_semaphore(%run_scoped3A : memref<!tpu.dma_semaphore, #tpu.memory_space<semaphore_mem>>)
      %dma_wait3A = arith.constant 0 : i32
      %dma_wait3A_101 = tpu.memref_slice %arg9[%arg0, %mul3A_95, %dma_wait3A] : memref<2x4096x32xf32, #tpu.memory_space<hbm>> -> memref<1x256x32xf32, #tpu.memory_space<hbm>>
      %dma_wait3A_102 = tpu.memref_squeeze %dma_wait3A_101 : memref<1x256x32xf32, #tpu.memory_space<hbm>> -> memref<256x32xf32, #tpu.memory_space<hbm>>
      %dma_wait3A_103 = arith.constant 0 : i32
      %dma_wait3A_104 = tpu.memref_slice %arg18[%mul3A_93, %dma_wait3A_103] : memref<4096x32xf32, #tpu.memory_space<vmem_shared>> -> memref<256x32xf32, #tpu.memory_space<vmem_shared>>
      tpu.wait_dma2 semaphore(%run_scoped3A : memref<!tpu.dma_semaphore, #tpu.memory_space<semaphore_mem>>) src(%dma_wait3A_104 : memref<256x32xf32, #tpu.memory_space<vmem_shared>>) dst(%dma_wait3A_102 : memref<256x32xf32, #tpu.memory_space<hbm>>)
      tpu.yield
    }) : () -> ()
    return
  }
}

module attributes {stable_mosaic.version = 14 : i64} {
  func.func @body(%arg0: memref<2048x128xf32, #tpu.memory_space<vmem>>, %arg1: memref<1024x4xf32, #tpu.memory_space<vmem>>) attributes {dimension_semantics = [], scalar_prefetch = 0 : i64, scratch_operands = 0 : i64, tpu.core_type = #tpu.core_type<tc>} {
    %get3A = arith.constant 0 : index
    %get3A_0 = arith.constant 0 : index
    %get3A_1 = vector.load %arg0[%get3A, %get3A_0] : memref<2048x128xf32, #tpu.memory_space<vmem>>, vector<1024x128xf32>
    %get3A_2 = arith.constant 1024 : index
    %get3A_3 = arith.constant 0 : index
    %get3A_4 = vector.load %arg0[%get3A_2, %get3A_3] : memref<2048x128xf32, #tpu.memory_space<vmem>>, vector<1024x128xf32>
    %add3A = arith.addf %get3A_1, %get3A_4 : vector<1024x128xf32>
    %slice3A = vector.extract_strided_slice %add3A {offsets = [0, 0], sizes = [1024, 16], strides = [1, 1]} : vector<1024x128xf32> to vector<1024x16xf32>
    %reduce_sum3A = arith.constant dense<0.000000e+00> : vector<1024xf32>
    %reduce_sum3A_5 = vector.multi_reduction <add>, %slice3A, %reduce_sum3A [1] : vector<1024x16xf32> to vector<1024xf32>
    %broadcast_in_dim3A = vector.shape_cast %reduce_sum3A_5 : vector<1024xf32> to vector<1024x1xf32>
    %slice3A_6 = vector.extract_strided_slice %add3A {offsets = [0, 16], sizes = [1024, 1], strides = [1, 1]} : vector<1024x128xf32> to vector<1024x1xf32>
    %gt3A = arith.constant 0.000000e+00 : f32
    %gt3A_7 = vector.broadcast %gt3A : f32 to vector<1024x1xf32>
    %gt3A_8 = arith.cmpf ogt, %slice3A_6, %gt3A_7 : vector<1024x1xf32>
    %max3A = arith.constant 1.000000e+00 : f32
    %max3A_9 = vector.broadcast %max3A : f32 to vector<1024x1xf32>
    %max3A_10 = arith.maximumf %slice3A_6, %max3A_9 : vector<1024x1xf32>
    %div3A = arith.divf %broadcast_in_dim3A, %max3A_10 : vector<1024x1xf32>
    %jit3A = arith.constant 0.000000e+00 : f32
    %broadcast_in_dim3A_11 = vector.broadcast %jit3A : f32 to vector<1024x1xf32>
    %select_n3A = arith.select %gt3A_8, %div3A, %broadcast_in_dim3A_11 : vector<1024x1xi1>, vector<1024x1xf32>
    %slice3A_12 = vector.extract_strided_slice %add3A {offsets = [0, 32], sizes = [1024, 16], strides = [1, 1]} : vector<1024x128xf32> to vector<1024x16xf32>
    %reduce_sum3A_13 = arith.constant dense<0.000000e+00> : vector<1024xf32>
    %reduce_sum3A_14 = vector.multi_reduction <add>, %slice3A_12, %reduce_sum3A_13 [1] : vector<1024x16xf32> to vector<1024xf32>
    %broadcast_in_dim3A_15 = vector.shape_cast %reduce_sum3A_14 : vector<1024xf32> to vector<1024x1xf32>
    %slice3A_16 = vector.extract_strided_slice %add3A {offsets = [0, 48], sizes = [1024, 1], strides = [1, 1]} : vector<1024x128xf32> to vector<1024x1xf32>
    %gt3A_17 = arith.constant 0.000000e+00 : f32
    %gt3A_18 = vector.broadcast %gt3A_17 : f32 to vector<1024x1xf32>
    %gt3A_19 = arith.cmpf ogt, %slice3A_16, %gt3A_18 : vector<1024x1xf32>
    %max3A_20 = arith.constant 1.000000e+00 : f32
    %max3A_21 = vector.broadcast %max3A_20 : f32 to vector<1024x1xf32>
    %max3A_22 = arith.maximumf %slice3A_16, %max3A_21 : vector<1024x1xf32>
    %div3A_23 = arith.divf %broadcast_in_dim3A_15, %max3A_22 : vector<1024x1xf32>
    %jit3A_24 = arith.constant 0.000000e+00 : f32
    %broadcast_in_dim3A_25 = vector.broadcast %jit3A_24 : f32 to vector<1024x1xf32>
    %select_n3A_26 = arith.select %gt3A_19, %div3A_23, %broadcast_in_dim3A_25 : vector<1024x1xi1>, vector<1024x1xf32>
    %slice3A_27 = vector.extract_strided_slice %add3A {offsets = [0, 64], sizes = [1024, 16], strides = [1, 1]} : vector<1024x128xf32> to vector<1024x16xf32>
    %reduce_sum3A_28 = arith.constant dense<0.000000e+00> : vector<1024xf32>
    %reduce_sum3A_29 = vector.multi_reduction <add>, %slice3A_27, %reduce_sum3A_28 [1] : vector<1024x16xf32> to vector<1024xf32>
    %broadcast_in_dim3A_30 = vector.shape_cast %reduce_sum3A_29 : vector<1024xf32> to vector<1024x1xf32>
    %slice3A_31 = vector.extract_strided_slice %add3A {offsets = [0, 80], sizes = [1024, 1], strides = [1, 1]} : vector<1024x128xf32> to vector<1024x1xf32>
    %gt3A_32 = arith.constant 0.000000e+00 : f32
    %gt3A_33 = vector.broadcast %gt3A_32 : f32 to vector<1024x1xf32>
    %gt3A_34 = arith.cmpf ogt, %slice3A_31, %gt3A_33 : vector<1024x1xf32>
    %max3A_35 = arith.constant 1.000000e+00 : f32
    %max3A_36 = vector.broadcast %max3A_35 : f32 to vector<1024x1xf32>
    %max3A_37 = arith.maximumf %slice3A_31, %max3A_36 : vector<1024x1xf32>
    %div3A_38 = arith.divf %broadcast_in_dim3A_30, %max3A_37 : vector<1024x1xf32>
    %jit3A_39 = arith.constant 0.000000e+00 : f32
    %broadcast_in_dim3A_40 = vector.broadcast %jit3A_39 : f32 to vector<1024x1xf32>
    %select_n3A_41 = arith.select %gt3A_34, %div3A_38, %broadcast_in_dim3A_40 : vector<1024x1xi1>, vector<1024x1xf32>
    %slice3A_42 = vector.extract_strided_slice %add3A {offsets = [0, 96], sizes = [1024, 16], strides = [1, 1]} : vector<1024x128xf32> to vector<1024x16xf32>
    %reduce_sum3A_43 = arith.constant dense<0.000000e+00> : vector<1024xf32>
    %reduce_sum3A_44 = vector.multi_reduction <add>, %slice3A_42, %reduce_sum3A_43 [1] : vector<1024x16xf32> to vector<1024xf32>
    %broadcast_in_dim3A_45 = vector.shape_cast %reduce_sum3A_44 : vector<1024xf32> to vector<1024x1xf32>
    %slice3A_46 = vector.extract_strided_slice %add3A {offsets = [0, 112], sizes = [1024, 1], strides = [1, 1]} : vector<1024x128xf32> to vector<1024x1xf32>
    %gt3A_47 = arith.constant 0.000000e+00 : f32
    %gt3A_48 = vector.broadcast %gt3A_47 : f32 to vector<1024x1xf32>
    %gt3A_49 = arith.cmpf ogt, %slice3A_46, %gt3A_48 : vector<1024x1xf32>
    %max3A_50 = arith.constant 1.000000e+00 : f32
    %max3A_51 = vector.broadcast %max3A_50 : f32 to vector<1024x1xf32>
    %max3A_52 = arith.maximumf %slice3A_46, %max3A_51 : vector<1024x1xf32>
    %div3A_53 = arith.divf %broadcast_in_dim3A_45, %max3A_52 : vector<1024x1xf32>
    %jit3A_54 = arith.constant 0.000000e+00 : f32
    %broadcast_in_dim3A_55 = vector.broadcast %jit3A_54 : f32 to vector<1024x1xf32>
    %select_n3A_56 = arith.select %gt3A_49, %div3A_53, %broadcast_in_dim3A_55 : vector<1024x1xi1>, vector<1024x1xf32>
    %concatenate3A = tpu.concatenate %select_n3A, %select_n3A_26, %select_n3A_41, %select_n3A_56 in 1 : vector<1024x1xf32>, vector<1024x1xf32>, vector<1024x1xf32>, vector<1024x1xf32> -> vector<1024x4xf32>
    %swap3A = arith.constant 0 : index
    %swap3A_57 = arith.constant 0 : index
    %swap3A_58 = vector.load %arg1[%swap3A, %swap3A_57] : memref<1024x4xf32, #tpu.memory_space<vmem>>, vector<1024x4xf32>
    tpu.vector_store %arg1[%swap3A, %swap3A_57], %concatenate3A {strides = array<i32>} : memref<1024x4xf32, #tpu.memory_space<vmem>>, vector<1024x4xf32>,
    return
  }
}

</mosaic_0001>

<sc_bundles>
// kernel: kernel.4.cloned.1.call-start
scs
__scs_entry_jumppad:
0x0: {  	(pc) =	sbr.rel $0x88, $3  }
0x1: {  	(tag) =	ssettag $0x0;
	lr =	simm.s32 $0x1  }
0x2: {  	[smem:$0x3F9B] =	sst lr;
	_ =	strace $0xD0000000  }
0x3: {  	_ = 	snop  }
0x4: {  	_ = 	snop  }
0x5: {  	_ = 	snop  }
0x6: {  	_ = 	snop  }
0x7: {  	_ = 	snop  }
__scs_overlays_trampoline_lowered:
0x8: {  	[smem:$0x3FAA] =	sst s0  }
0x9: {  	[smem:$0x3FAB] =	sst s1  }
0xa: {  	[smem:$0x3FAC] =	sst s2  }
0xb: {  	[smem:$0x3FAD] =	sst s3  }
0xc: {  	[smem:$0x3FAE] =	sst s4  }
0xd: {  	[smem:$0x3FAF] =	sst s5  }
0xe: {  	[smem:$0x3FB0] =	sst s6  }
0xf: {  	[smem:$0x3FB1] =	sst s7  }
0x10: {  	[smem:$0x3FB2] =	sst s8  }
0x11: {  	[smem:$0x3FB3] =	sst s9;
	s0 =	simm.s32 @!p0 $0x0  }
0x12: {  	s1 =	sld [smem:$0x3F99];
	s0 =	simm.s32 @p0 $0x1  }
0x13: {  	[smem:$0x3FB4] =	sst s0;
	s0 =	simm.s32 @!p1 $0x0  }
0x14: {  	s2 =	sld [smem:$0x3F98];
	s0 =	simm.s32 @p1 $0x1  }
0x15: {  	[smem:$0x3FB5] =	sst s0;
	s0 =	simm.s32 @!p2 $0x0  }
0x16: {  	s3 =	sld [smem:$0x3FDB];
	s0 =	simm.s32 @p2 $0x1  }
0x17: {  	s4 =	simm.s32 $0x1BF5;
	[smem:$0x3FB7] =	sst s0  }
0x18: {  	s0 =	sld [smem:$0x3F9A];
	_ =	swait.ge [sflag:s4], $0x0  }
0x19: {  	s7 =	sld [smem:$0x3F9B]  }
0x1a: {  	s8 =	sadd.s32 $0xFFFFE003, lr  }
0x1b: {  	s9 =	sadd.s32 $0xFFFFFEF7, lr;
	s5 =	simm.s32 $0xFFFFFFFF;
	p2 =	slt.u32 s8, $0xFFFFF086  }
0x1c: {  	p1 =	slt.u32 s9, $0xF7A;
	s5 =	simm.s32 @!p2 $0x0  }
0x1d: {  	s5 =	simm.s32 @p1 $0x1;
	p0 =	seq.s32 s7, s2  }
0x1e: {  	s7 =	smul.u32 @!p0 $0xF7A, s2;
	p2 =	seq.s32 @!p0 s5, $0x0  }
0x1f: {  	s9 =	smul.u32 $0xF7A, s1;
	s8 =	simm.s32 @!p0 $0x1BF5;
	p2 =	por !p2, p0  }
0x20: {  	[sflag:s8] =	ssyncset.s32 @!p0 $0xFFFFF086;
	s6 =	sadd.s32 @!p0 s3, s7;
	s7 =	simm.s32 @!p0 $0x108  }
0x21: {  	s3 =	sadd.s32 s3, s9;
	s6 =	sadd.s32 @!p0 $0x88, s6;
	s7 =	simm.s32 @p2 $0x1082  }
0x22: {  	[simem:s7], [sflag:s8] =	dma.local @!p0 [hbm:s6], $0xF7A  }
0x23: {  	s9 =	sor.u32 $0xD0000000, s2;
	s6 =	simm.s32 $0x108;
	_ =	swait.ge @!p0 [sflag:s8], $0x0  }
0x24: {  	s3 =	sadd.s32 $0x88, s3;
	s6 =	simm.s32 @!p1 $0x1082;
	[sflag:s4] =	ssyncset.s32 $0xFFFFF086  }
0x25: {  	[simem:s6], [sflag:s4] =	dma.local [hbm:s3], $0xF7A  }
0x26: {  	[smem:$0x3F9B] =	sst s1;
	(tag) =	ssettag s2;
	_ =	strace s9  }
0x27: {  	s1 =	sld [smem:$0x3FAB]  }
0x28: {  	s2 =	sld [smem:$0x3FAC]  }
0x29: {  	s4 =	sld [smem:$0x3FAE]  }
0x2a: {  	p0 =	seq.s32 s5, $0x0;
	s5 =	sld [smem:$0x3FAF]  }
0x2b: {  	s6 =	sld [smem:$0x3FB0]  }
0x2c: {  	s7 =	sld [smem:$0x3FB1]  }
0x2d: {  	s3 =	simm.s32 $0x108;
	s8 =	sld [smem:$0x3FB2]  }
0x2e: {  	s3 =	simm.s32 @!p0 $0x1082;
	s9 =	sld [smem:$0x3FB3]  }
0x2f: {  	lr =	sadd.s32 s0, s3;
	s0 =	sld [smem:$0x3FAA]  }
0x30: {  	s3 =	sld [smem:$0x3FAD]  }
0x31: {  	[smem:$0x3FB6] =	sst s10  }
0x32: {  	s10 =	sld [smem:$0x3FB4];
	_ =	sdelay $0x3  }
0x33: {  	p0 =	seq.s32 s10, $0x1;
	s10 =	sld [smem:$0x3FB6];
	_ =	sdelay $0x3  }
0x34: {  	[smem:$0x3FB6] =	sst s10  }
0x35: {  	s10 =	sld [smem:$0x3FB5];
	_ =	sdelay $0x3  }
0x36: {  	p1 =	seq.s32 s10, $0x1;
	s10 =	sld [smem:$0x3FB6];
	_ =	sdelay $0x3  }
0x37: {  	[smem:$0x3FB6] =	sst s10  }
0x38: {  	s10 =	sld [smem:$0x3FB7]  }
0x39: {  	_ = 	snop;
	(pc) =	sbr.ind lr, $3  }
0x3a: {  	_ = 	snop  }
0x3b: {  	_ = 	snop  }
0x3c: {  	p2 =	seq.s32 s10, $0x1;
	s10 =	sld [smem:$0x3FB6]  }
0x3d: {  	_ =	shalt  }
0x3e: {  	_ =	shalt  }
0x3f: {  	_ =	shalt  }
0x40: {  	_ =	shalt  }
0x41: {  	_ =	shalt  }
0x42: {  	_ =	shalt  }
0x43: {  	_ =	shalt  }
0x44: {  	_ =	shalt  }
0x45: {  	_ =	shalt  }
0x46: {  	_ =	shalt  }
0x47: {  	_ =	shalt  }
0x48: {  	_ =	shalt  }
0x49: {  	_ =	shalt  }
0x4a: {  	_ =	shalt  }
0x4b: {  	_ =	shalt  }
0x4c: {  	_ =	shalt  }
0x4d: {  	_ =	shalt  }
0x4e: {  	_ =	shalt  }
0x4f: {  	_ =	shalt  }
0x50: {  	_ =	shalt  }
0x51: {  	_ =	shalt  }
0x52: {  	_ =	shalt  }
0x53: {  	_ =	shalt  }
0x54: {  	_ =	shalt  }
0x55: {  	_ =	shalt  }
0x56: {  	_ =	shalt  }
0x57: {  	_ =	shalt  }
0x58: {  	_ =	shalt  }
0x59: {  	_ =	shalt  }
0x5a: {  	_ =	shalt  }
0x5b: {  	_ =	shalt  }
0x5c: {  	_ =	shalt  }
0x5d: {  	_ =	shalt  }
0x5e: {  	_ =	shalt  }
0x5f: {  	_ =	shalt  }
0x60: {  	_ =	shalt  }
0x61: {  	_ =	shalt  }
0x62: {  	_ =	shalt  }
0x63: {  	_ =	shalt  }
0x64: {  	_ =	shalt  }
0x65: {  	_ =	shalt  }
0x66: {  	_ =	shalt  }
0x67: {  	_ =	shalt  }
0x68: {  	_ =	shalt  }
0x69: {  	_ =	shalt  }
0x6a: {  	_ =	shalt  }
0x6b: {  	_ =	shalt  }
0x6c: {  	_ =	shalt  }
0x6d: {  	_ =	shalt  }
0x6e: {  	_ =	shalt  }
0x6f: {  	_ =	shalt  }
0x70: {  	_ =	shalt  }
0x71: {  	_ =	shalt  }
0x72: {  	_ =	shalt  }
0x73: {  	_ =	shalt  }
0x74: {  	_ =	shalt  }
0x75: {  	_ =	shalt  }
0x76: {  	_ =	shalt  }
0x77: {  	_ =	shalt  }
0x78: {  	_ =	shalt  }
0x79: {  	_ =	shalt  }
0x7a: {  	_ =	shalt  }
0x7b: {  	_ =	shalt  }
0x7c: {  	_ =	shalt  }
0x7d: {  	_ =	shalt  }
0x7e: {  	_ =	shalt  }
0x7f: {  	_ =	shalt  }
0x80: {  	_ =	shalt  }
0x81: {  	_ =	shalt  }
0x82: {  	_ =	shalt  }
0x83: {  	_ =	shalt  }
0x84: {  	_ =	shalt  }
0x85: {  	_ =	shalt  }
0x86: {  	_ =	shalt  }
0x87: {  	_ =	shalt  }
.Lfunc_end0:
.L_simem_size_0:
called_computation_lowered:
.L_overlay_start_0:
0x88: {  	s2 =	sld [smem:$0x3FD9]  }
0x89: {  	s3 =	sld [smem:$0x3FFE];
	_ =	sdelay $0x1  }
0x8a: {  	s1 =	srdreg.scid  }
0x8b: {  	s0 =	sand.u32 $0x1, s1  }
0x8c: {  	s17 =	sshll.u32 s0, $0xA;
	s2 =	sadd.s32 s3, s2  }
0x8d: {  	s2 =	sadd.s32 s2, s17  }
0x8e: {  	[smem:$0x3FC2] =	sst s2  }
0x8f: {  	_ = 	snop  }
0x90: {  	s2 =	sld [smem:$0x3FC9]  }
0x91: {  	s18 =	sld [smem:$0x3FC8]  }
0x92: {  	s4 =	sld [smem:$0x3FC7]  }
0x93: {  	s5 =	sld [smem:$0x3FC6];
	(tm) =	ssettm $0x1  }
0x94: {  	s6 =	sld [smem:$0x3FFB];
	_ =	sdelay $0x3  }
0x95: {  	_ =	strace s6  }
0x96: {  	s6 =	sld [smem:$0x3FFC];
	_ =	sdelay $0x3  }
0x97: {  	_ =	strace s6  }
0x98: {  	s6 =	sld [smem:$0x3FFD];
	_ =	sdelay $0x3  }
0x99: {  	_ =	strace s6  }
0x9a: {  	_ =	strace $0x8FFFFFFF  }
0x9b: {  	s19 =	sld [smem:$0x3FDB];
	_ =	sdelay $0x1  }
0x9c: {  	s7 =	simm.s32 $_scs_section_size  }
0x9d: {  	s8 =	simm.s32 $_size__tile_overlayer_lowered;
	s9 =	simm.s32 $_tile_overlayer_lowered  }
0x9e: {  	s22 =	simm.s32 $0x1BFF;
	s21 =	sshll.u32 s9, $0x1;
	s6 =	sadd.s32 s7, s19  }
0x9f: {  	s10 =	simm.s32 $0x0;
	s20 =	sshll.u32 s8, $0x1;
	s8 =	sadd.s32 s21, s6  }
0xa0: {  	[timem:s10], [sflag:s22] =	dma.local [hbm:s8], s20  }
0xa1: {  	_ =	swait.ge [sflag:s22], s20  }
0xa2: {  	s7 =	ssub.s32 $0x0, s20;
	[sflag:s22] =	ssyncset.done $0x0  }
0xa3: {  	[sflag:s22] =	ssyncadd.s32 s7;
	_ =	sdelay $0x1  }
0xa4: {  	s23 =	simm.s32 $0x1B8B  }
0xa5: {  	_ =	swait.ge [sflag:s23], $0x1  }
0xa6: {  	[sflag:s23] =	ssyncset.done $0x0  }
0xa7: {  	s25 =	simm.s32 $0x1B8E;
	s24 =	sld [smem:$0x3FFE];
	[sflag:s23] =	ssyncadd.s32 $0xFFFFFFFF  }
0xa8: {  	s26 =	simm.s32 $execute0_lowered;
	[smem:$0x3FD2] =	sst s25  }
0xa9: {  	s8 =	sshll.u32 s26, $0x1;
	_ =	strace $0x80000046;
	[dreg:$0x1] =	wrdreg $0xFFFFFFFF  }
0xaa: {  	s28 =	simm.s32 $_size_execute0_lowered;
	s6 =	sadd.s32 s6, s8;
	[dreg:$0x0] =	wrdreg $0x0  }
0xab: {  	s8 =	sshll.u32 s28, $0x1;
	[dreg:$0x2] =	wrdreg s6  }
0xac: {  	[dreg:$0x3] =	wrdreg s8  }
0xad: {  	[dreg:$0x4] =	wrdreg $0xC0  }
0xae: {  	_ =	task [dreg:s10], $0x5FFFF  }
0xaf: {  	[dreg:$0x1] =	wrdreg $0xFFFFFFFF  }
0xb0: {  	[dreg:$0x0] =	wrdreg $0x60  }
0xb1: {  	[dreg:$0x2] =	wrdreg s2  }
0xb2: {  	[dreg:$0x3] =	wrdreg s18  }
0xb3: {  	[dreg:$0x4] =	wrdreg s4  }
0xb4: {  	[dreg:$0x5] =	wrdreg s5  }
0xb5: {  	[dreg:$0x6] =	wrdreg s24  }
0xb6: {  	[dreg:$0x7] =	wrdreg $0xC0000  }
0xb7: {  	[dreg:$0x8] =	wrdreg $0x9  }
0xb8: {  	_ =	task.clear_ibuf [dreg:s10], $0x9FFFF;
	_ =	strace $0x90000046  }
0xb9: {  	s29 =	simm.s32 $0x9;
	_ =	strace $0x80000048  }
0xba: {  	_ =	swait.ge [sflag:s29], $0x1  }
0xbb: {  	[sflag:s29] =	ssyncadd.s32 $0xFFFFFFFF  }
0xbc: {  	_ =	strace $0x90000048  }
0xbd: {  	_ =	sfence  }
0xbe: {  	s30 =	sld [smem:$0x0];
	_ =	sdelay $0x2  }
0xbf: {  	s31 =	sshll.u32 s1, $0xD;
	s1 =	sshrl.u32 s1, $0x2  }
0xc0: {  	s3 =	sand.u32 $0x4000, s31;
	s1 =	sadd.s32 s1, s30  }
0xc1: {  	s0 =	sor.u32 s3, s0;
	s1 =	sshll.u32 s1, $0x11  }
0xc2: {  	s0 =	sor.u32 s1, s0  }
0xc3: {  	s0 =	sadd.s32 $0x8F2B, s0  }
0xc4: {  	[sflag:s0] =	ssyncadd.remote.s32 $0x1  }
0xc5: {  	_ =	sfence.sel $0xFFFF  }
0xc6: {  	[dreg:$0x0] =	wrdreg $0xFFFFFFFF;
	(pc) =	sbr.abs _section_cstart, $3  }
0xc7: {  	[dreg:$0x1] =	wrdreg $0xFFFFFFFF  }
0xc8: {  	_ =	task.clear_ibuf [dreg:s10], $0x2FFFF;
	_ =	strace $0x9FFFFFFF  }
0xc9: {  	(tm) =	ssettm $0x7FFFFFFF  }
tec
execute0_lowered:
.L_overlay_start_1:
0x0: {  	(tag) =	ssettag $0x1  }
0x1: {  	s0 =	rddreg [dreg:$0x0]  }
0x2: {  	s5 =	rddreg [dreg:$0x1]  }
0x3: {  	s9 =	rddreg [dreg:$0x2]  }
0x4: {  	s10 =	rddreg [dreg:$0x3]  }
0x5: {  	s7 =	rddreg [dreg:$0x4]  }
0x6: {  	s1 =	rddreg [dreg:$0x5];
	s2 =	simm.s32 $0x0  }
0x7: {  	s6 =	srdreg.scid;
	s15 =	stileid.u32;
	s16 =	simm.s32 $0x2000  }
0x8: {  	s18 =	simm.s32 $0x80;
	s22 =	simm.s32 $0x5000;
	s28 =	simm.s32 $0x9000  }
0x9: {  	s29 =	simm.s32 $0x1;
	s30 =	simm.s32 $0xA000;
	s31 =	simm.s32 $0x2  }
0xa: {  	[smem:$0x7FF] =	sst s2;
	s3 =	sadd.s32 $0x800, s7;
	s4 =	sadd.s32 $0x31600, s7  }
0xb: {  	s8 =	sand.u32 $0x1, s6;
	s24 =	sadd.s32 $0x32600, s7;
	s12 =	sshll.u32 s15, $0xD  }
0xc: {  	p0 =	sne.s32 s15, $0x0;
	s15 =	simm.s32 $0x1000;
	_ =	strace $0x80000047  }
0xd: {  	[dreg:$0x7] =	wrdreg s24;
	s11 =	sshll.u32 s8, $0x11;
	s13 =	ssub.s32 $0x2, s8  }
0xe: {  	s8 =	sshll.u32 s8, $0xC;
	s26 =	sadd.s32 s12, s1;
	s24 =	simm.s32 $0x7000  }
0xf: {  	s11 =	sor.u32 s12, s11;
	s14 =	sshrl.u32 s13, $0x1;
	s8 =	sor.u32 s8, s12  }
.Ltmp0:
0x10: {  	s11 =	sshrl.u32 s11, $0x3;
	s13 =	ssub.s32 s13, s14;
	(pc) =	sbr.rel .LBB2_1-.Ltmp0, $4  }
0x11: {  	s25 =	sshrl.u32 s8, $0x3;
	s14 =	simm.s32 $0x3;
	s11 =	sadd.s32 s11, s7  }
0x12: {  	s7 =	sadd.s32 s0, s25;
	s8 =	sadd.s32 s5, s25;
	s9 =	sadd.s32 s9, s25  }
0x13: {  	s10 =	sadd.s32 s10, s25;
	s12 =	smax.u32 s13, $0x1;
	s13 =	sshrl.u32 @!p0 s1, $0x3  }
0x14: {  	v0 =	vimm.f32 $1.000000000e+00;
	s25 =	sshrl.u32 s26, $0x3;
	s0 =	simm.s32 $0xB000;
	s11 =	sadd.s32 $0x36600, s11  }
.LBB2_12:
0x15: {  	s5 =	stileid.u32;
	s2 =	sadd.s32 $0x1, s2  }
0x16: {  	s5 =	sshll.u32 s5, $0x6;
	p1 =	sne.s32 s2, s12  }
.Ltmp1:
0x17: {  	[bflag:$0x0] =	sbarrier.arrive $0xFFFF;
	s5 =	sor.u32 $0x1C03, s5;
	(pc) =	sbr.rel @!p1 .LBB2_13-.Ltmp1, $4  }
0x18: {  	[hbm:s11], [sflag:s5] =	dma.local [spmem:s25], $0x400  }
0x19: {  	_ =	swait.ge [sflag:s14], $0x400  }
0x1a: {  	[sflag:s14] =	ssyncset.done $0x0  }
0x1b: {  	[sflag:s14] =	ssyncadd.s32 $0xFFFFFC00  }
.LBB2_1:
0x1c: {  	s5 =	simm.s32 @!p0 $0x1C03;
	s6 =	rddreg [dreg:$0x7]  }
0x1d: {  	[spmem:s13], [sflag:s5] =	dma.local @!p0 [hbm:s6], $0x4000  }
0x1e: {  	s5 =	simm.s32 @!p0 $0x3  }
0x1f: {  	_ =	swait.ge @!p0 [sflag:s5], $0x4000  }
0x20: {  	[sflag:s5] =	ssyncset.done @!p0 $0x0  }
0x21: {  	[sflag:s5] =	ssyncadd.s32 @!p0 $0xFFFFC000;
	s5 =	simm.s32 $0x0  }
.LBB2_2:
0x22: {  	p1 =	sne.s32 s5, $0x3F80  }
.Ltmp2:
0x23: {  	_ = 	snop;
	(pc) =	sbr.rel @p1 .LBB2_2-.Ltmp2, $3  }
0x24: {  	_ =	sdelay $0x1  }
0x25: {  	s17 =	sshra.s32 s5, $0x2  }
0x26: {  	s5 =	sadd.s32 $0x80, s5;
	[tilespmem:s17+$0xA010] =	vst v0  }
0x27: {  	s5 =	simm.s32 $0x80;
	s17 =	simm.s32 $0x0  }
.LBB2_4:
0x28: {  	p1 =	sne.s32 s5, $0x3F80;
	[tilespmem:s17+$0xB010] =	vst v0;
	s17 =	smov.u32 s5;
	s5 =	sadd.s32 $0x80, s5  }
.Ltmp3:
0x29: {  	(pc) =	sbr.rel @p1 .LBB2_4-.Ltmp3, $2  }
0x2a: {  	_ =	sdelay $0x2  }
0x2b: {  	s17 =	sshra.s32 s17, $0x2  }
0x2c: {  	[tilespmem:s17+$0xB010] =	vst v0;
	s5 =	simm.s32 $0x0  }
0x2d: {  	[tilespmem:s5], [sflag:$0x3] =	stream.linear.gather [hbm4b:s7+s5], $0x1000, $0x38;
	[tilespmem:$0xE000] =	vst v63  }
0x2e: {  	_ =	swait.ge [sflag:s14], $0x1000  }
0x2f: {  	[sflag:s14] =	ssyncset.done $0x0  }
0x30: {  	[sflag:s14] =	ssyncadd.s32 $0xFFFFF000  }
0x31: {  	[tilespmem:s15], [sflag:$0x3] =	stream.linear.gather [hbm4b:s8+s5], $0x1000, $0x38;
	[tilespmem:$0xE000] =	vst v63  }
0x32: {  	_ =	swait.ge [sflag:s14], $0x1000  }
0x33: {  	[sflag:s14] =	ssyncset.done $0x0  }
0x34: {  	[sflag:s14] =	ssyncadd.s32 $0xFFFFF000  }
0x35: {  	[tilespmem:s16], [sflag:$0x3] =	stream.linear.gather [hbm4b:s9+s5], $0x1000, $0x38;
	[tilespmem:$0xE000] =	vst v63  }
0x36: {  	_ =	swait.ge [sflag:s14], $0x1000  }
0x37: {  	[sflag:s14] =	ssyncset.done $0x0  }
0x38: {  	s6 =	simm.s32 $0x3000;
	[sflag:s14] =	ssyncadd.s32 $0xFFFFF000  }
0x39: {  	[tilespmem:s6], [sflag:$0x3] =	stream.linear.gather [hbm4b:s10+s5], $0x1000, $0x38;
	[tilespmem:$0xE000] =	vst v63  }
0x3a: {  	_ =	swait.ge [sflag:s14], $0x1000  }
0x3b: {  	[sflag:s14] =	ssyncset.done $0x0  }
0x3c: {  	[sflag:s14] =	ssyncadd.s32 $0xFFFFF000  }
0x3d: {  	s19 =	simm.s32 $0x4000;
	[bflag:$0x0] =	sbarrier.arrive $0xFFFF  }
0x3e: {  	[tilespmem:s19], [sflag:$0x1] =	stream.indirect.gather [hbm4b:s3+s18], $0x20, s5, s18, $0xb8;
	[tilespmem:$0xE000] =	vst v63  }
0x3f: {  	s20 =	simm.s32 $0x6000  }
0x40: {  	[tilespmem:s20], [sflag:$0x1] =	stream.indirect.gather [hbm4b:s3+s18], $0x20, s15, s18, $0xb8;
	[tilespmem:$0xE000] =	vst v63  }
0x41: {  	s21 =	simm.s32 $0x8000  }
0x42: {  	[tilespmem:s21], [sflag:$0x1] =	stream.indirect.gather [hbm4b:s4+s18], $0x20, s16, s18, $0xb8;
	[tilespmem:$0xE000] =	vst v63  }
0x43: {  	_ = 	snop  }
0x44: {  	[tilespmem:s22], [sflag:$0x2] =	stream.indirect.gather [hbm4b:s3+s18], $0x20, s18, s18, $0xb8;
	[tilespmem:$0xE000] =	vst v63  }
0x45: {  	s23 =	simm.s32 $0x1080  }
0x46: {  	[tilespmem:s24], [sflag:$0x2] =	stream.indirect.gather [hbm4b:s3+s18], $0x20, s23, s18, $0xb8;
	[tilespmem:$0xE000] =	vst v63  }
0x47: {  	s26 =	simm.s32 $0x2080  }
0x48: {  	[tilespmem:s28], [sflag:$0x2] =	stream.indirect.gather [hbm4b:s4+s18], $0x20, s26, s18, $0xb8;
	[tilespmem:$0xE000] =	vst v63  }
.LBB2_6:
0x49: {  	_ =	swait.ge [sflag:s29], $0x1000  }
0x4a: {  	[sflag:s29] =	ssyncset.done $0x0  }
0x4b: {  	[sflag:s29] =	ssyncadd.s32 $0xFFFFF000  }
0x4c: {  	_ =	swait.ge [sflag:s29], $0x1000  }
0x4d: {  	[sflag:s29] =	ssyncset.done $0x0  }
0x4e: {  	[sflag:s29] =	ssyncadd.s32 $0xFFFFF000  }
0x4f: {  	_ =	swait.ge [sflag:s29], $0x1000  }
0x50: {  	[sflag:s29] =	ssyncset.done $0x0  }
0x51: {  	s17 =	simm.s32 $0x0;
	[sflag:s29] =	ssyncadd.s32 $0xFFFFF000  }
0x52: {  	v1 =	vld [tilespmem:s17+$0x4000]  }
0x53: {  	v2 =	vld [tilespmem:s17+$0x8000]  }
0x54: {  	v3 =	vld [tilespmem:s17+$0x4010]  }
0x55: {  	v4 =	vld [tilespmem:s17+$0x8010]  }
0x56: {  	v5 =	vld [tilespmem:s17+$0x6000]  }
0x57: {  	s19 =	simm.s32 $0x20;
	v6 =	vld [tilespmem:s17+$0x6010]  }
0x58: {  	v7 =	vld [tilespmem:s19+$0x4000]  }
0x59: {  	v8 =	vld [tilespmem:s19+$0x8000]  }
0x5a: {  	v9 =	vld [tilespmem:s19+$0x4010];
	v1 =	vadd.bf16 v2, v1;
	v2 =	vadd.bf16 v4, v3  }
0x5b: {  	v4 =	vld [tilespmem:s19+$0x8010]  }
0x5c: {  	v3 =	vsub.bf16 v1, v5;
	v5 =	vld [tilespmem:s19+$0x6000];
	v2 =	vsub.bf16 v2, v6  }
0x5d: {  	s20 =	simm.s32 $0x40;
	v10 =	vld [tilespmem:s19+$0x6010]  }
0x5e: {  	v1 =	vld [tilespmem:s20+$0x4000];
	v6 =	vmul.bf16 v3, v3;
	v11 =	vmul.bf16 v2, v2  }
0x5f: {  	v7 =	vadd.bf16 v8, v7;
	v2 =	vld [tilespmem:s20+$0x8000]  }
0x60: {  	v3 =	vld [tilespmem:s20+$0x4010];
	v8 =	vadd.bf16 v4, v9;
	v9 =	vadd.bf16 v11, v6  }
0x61: {  	v4 =	vld [tilespmem:s20+$0x8010];
	v6 =	vsub.bf16 v7, v5  }
0x62: {  	s21 =	simm.s32 $0x180;
	v5 =	vld [tilespmem:s20+$0x6000];
	v7 =	vsub.bf16 v8, v10;
	v8 =	vunpack.i.u.bf16.f32 v9;
	v9 =	vunpack.i.l.bf16.f32 v9  }
.LBB2_7:
0x63: {  	s23 =	sshra.s32 s21, $0x2;
	v10 =	vld [tilespmem:s20+$0x6010];
	v8 =	vadd.f32 v9, v8;
	v9 =	vmov v1;
	p1 =	sne.s32 s21, $0x3F80  }
.Ltmp4:
0x64: {  	v6 =	vmul.bf16 v6, v6;
	v1 =	vld [tilespmem:s23+$0x4000];
	v7 =	vmul.bf16 v7, v7;
	(pc) =	sbr.rel @p1 .LBB2_7-.Ltmp4, $4  }
0x65: {  	v9 =	vadd.bf16 v2, v9;
	v2 =	vld [tilespmem:s23+$0x8000];
	v8 =	vsub.f32 $0.0e+00, v8  }
0x66: {  	s21 =	sadd.s32 $0x80, s21;
	v11 =	vadd.bf16 v4, v3;
	v3 =	vld [tilespmem:s23+$0x4010];
	v12 =	vadd.bf16 v7, v6  }
0x67: {  	v4 =	vld [tilespmem:s23+$0x8010];
	v6 =	vsub.bf16 v9, v5;
	[tilespmem:s17+$0xA000] =	vst v8;
	s17 =	smov.u32 s19;
	s19 =	smov.u32 s20;
	s20 =	smov.u32 s23  }
0x68: {  	v5 =	vld [tilespmem:s20+$0x6000];
	v7 =	vsub.bf16 v11, v10;
	v8 =	vunpack.i.u.bf16.f32 v12;
	v9 =	vunpack.i.l.bf16.f32 v12  }
0x69: {  	v10 =	vld [tilespmem:s20+$0x6010];
	_ =	sdelay $0x2  }
0x6a: {  	v1 =	vadd.bf16 v2, v1;
	v2 =	vadd.bf16 v4, v3;
	_ =	sdelay $0x1  }
0x6b: {  	v1 =	vsub.bf16 v1, v5;
	v2 =	vsub.bf16 v2, v10  }
0x6c: {  	v3 =	vmul.bf16 v6, v6;
	v4 =	vmul.bf16 v7, v7  }
0x6d: {  	v1 =	vmul.bf16 v1, v1;
	v2 =	vmul.bf16 v2, v2  }
0x6e: {  	v3 =	vadd.bf16 v4, v3  }
0x6f: {  	v1 =	vadd.bf16 v2, v1  }
0x70: {  	v4 =	vunpack.i.u.bf16.f32 v3;
	v3 =	vunpack.i.l.bf16.f32 v3;
	v2 =	vadd.f32 v9, v8  }
0x71: {  	v3 =	vadd.f32 v3, v4;
	v4 =	vunpack.i.u.bf16.f32 v1;
	v1 =	vunpack.i.l.bf16.f32 v1  }
0x72: {  	v2 =	vsub.f32 $0.0e+00, v2;
	v1 =	vadd.f32 v1, v4  }
0x73: {  	v3 =	vsub.f32 $0.0e+00, v3  }
0x74: {  	[tilespmem:s17+$0xA000] =	vst v2;
	s17 =	sshll.u32 s5, $0x8;
	v1 =	vsub.f32 $0.0e+00, v1  }
0x75: {  	[tilespmem:s19+$0xA000] =	vst v3;
	s19 =	sand.u32 $0x3FFFFF00, s17  }
0x76: {  	s26 =	sadd.s32 $0x3000, s19;
	[tilespmem:s20+$0xA000] =	vst v1  }
0x77: {  	[spmem:s1] =	stream.indirect.scatter.add.f32 [tilespmem:s30], [sflag:$0x3], $0x20, s26, s18, $0xb8;
	[tilespmem:$0xE000] =	vst v63  }
0x78: {  	p1 =	seq.s32 s5, $0xF;
	_ =	swait.ge [sflag:s14], $0x1000  }
0x79: {  	s21 =	simm.s32 @!p1 $0x80;
	[sflag:s14] =	ssyncset.done $0x0  }
0x7a: {  	s23 =	simm.s32 @!p1 $0x4000;
	s20 =	sadd.s32 @!p1 $0x100, s17;
	[sflag:s14] =	ssyncadd.s32 $0xFFFFF000  }
0x7b: {  	[tilespmem:s23], [sflag:$0x1] =	stream.indirect.gather @!p1 [hbm4b:s3+s21], $0x20, s20, s21, $0xb8;
	[tilespmem:$0xE000] =	vst v63  }
0x7c: {  	s20 =	sadd.s32 @!p1 $0x1100, s17;
	s23 =	simm.s32 @!p1 $0x6000  }
0x7d: {  	[tilespmem:s23], [sflag:$0x1] =	stream.indirect.gather @!p1 [hbm4b:s3+s21], $0x20, s20, s21, $0xb8;
	[tilespmem:$0xE000] =	vst v63  }
0x7e: {  	s20 =	sadd.s32 @!p1 $0x2100, s17;
	s23 =	simm.s32 @!p1 $0x8000  }
0x7f: {  	[tilespmem:s23], [sflag:$0x1] =	stream.indirect.gather @!p1 [hbm4b:s4+s21], $0x20, s20, s21, $0xb8;
	[tilespmem:$0xE000] =	vst v63  }
0x80: {  	_ =	swait.ge [sflag:s31], $0x1000  }
0x81: {  	[sflag:s31] =	ssyncset.done $0x0  }
0x82: {  	[sflag:s31] =	ssyncadd.s32 $0xFFFFF000  }
0x83: {  	_ =	swait.ge [sflag:s31], $0x1000  }
0x84: {  	[sflag:s31] =	ssyncset.done $0x0  }
0x85: {  	[sflag:s31] =	ssyncadd.s32 $0xFFFFF000  }
0x86: {  	_ =	swait.ge [sflag:s31], $0x1000  }
0x87: {  	[sflag:s31] =	ssyncset.done $0x0  }
0x88: {  	s20 =	simm.s32 $0x0;
	[sflag:s31] =	ssyncadd.s32 $0xFFFFF000  }
0x89: {  	v1 =	vld [tilespmem:s20+$0x5000]  }
0x8a: {  	v2 =	vld [tilespmem:s20+$0x9000]  }
0x8b: {  	v3 =	vld [tilespmem:s20+$0x5010]  }
0x8c: {  	v4 =	vld [tilespmem:s20+$0x9010]  }
0x8d: {  	v5 =	vld [tilespmem:s20+$0x7000]  }
0x8e: {  	s21 =	simm.s32 $0x20;
	v6 =	vld [tilespmem:s20+$0x7010]  }
0x8f: {  	v7 =	vld [tilespmem:s21+$0x5000]  }
0x90: {  	v8 =	vld [tilespmem:s21+$0x9000]  }
0x91: {  	v9 =	vld [tilespmem:s21+$0x5010];
	v1 =	vadd.bf16 v2, v1;
	v2 =	vadd.bf16 v4, v3  }
0x92: {  	v4 =	vld [tilespmem:s21+$0x9010]  }
0x93: {  	v3 =	vsub.bf16 v1, v5;
	v5 =	vld [tilespmem:s21+$0x7000];
	v2 =	vsub.bf16 v2, v6  }
0x94: {  	s23 =	simm.s32 $0x40;
	v10 =	vld [tilespmem:s21+$0x7010]  }
0x95: {  	v1 =	vld [tilespmem:s23+$0x5000];
	v6 =	vmul.bf16 v3, v3;
	v11 =	vmul.bf16 v2, v2  }
0x96: {  	v7 =	vadd.bf16 v8, v7;
	v2 =	vld [tilespmem:s23+$0x9000]  }
0x97: {  	v3 =	vld [tilespmem:s23+$0x5010];
	v8 =	vadd.bf16 v4, v9;
	v9 =	vadd.bf16 v11, v6  }
0x98: {  	v4 =	vld [tilespmem:s23+$0x9010];
	v6 =	vsub.bf16 v7, v5  }
0x99: {  	s26 =	simm.s32 $0x180;
	v5 =	vld [tilespmem:s23+$0x7000];
	v7 =	vsub.bf16 v8, v10;
	v8 =	vunpack.i.u.bf16.f32 v9;
	v9 =	vunpack.i.l.bf16.f32 v9  }
.LBB2_9:
0x9a: {  	s6 =	sshra.s32 s26, $0x2;
	v10 =	vld [tilespmem:s23+$0x7010];
	v8 =	vadd.f32 v9, v8;
	v9 =	vmov v1;
	p2 =	sne.s32 s26, $0x3F80  }
.Ltmp5:
0x9b: {  	v6 =	vmul.bf16 v6, v6;
	v1 =	vld [tilespmem:s6+$0x5000];
	v7 =	vmul.bf16 v7, v7;
	(pc) =	sbr.rel @p2 .LBB2_9-.Ltmp5, $4  }
0x9c: {  	v9 =	vadd.bf16 v2, v9;
	v2 =	vld [tilespmem:s6+$0x9000];
	v8 =	vsub.f32 $0.0e+00, v8  }
0x9d: {  	s26 =	sadd.s32 $0x80, s26;
	v11 =	vadd.bf16 v4, v3;
	v3 =	vld [tilespmem:s6+$0x5010];
	v12 =	vadd.bf16 v7, v6  }
0x9e: {  	v4 =	vld [tilespmem:s6+$0x9010];
	v6 =	vsub.bf16 v9, v5;
	[tilespmem:s20+$0xB000] =	vst v8;
	s20 =	smov.u32 s21;
	s21 =	smov.u32 s23;
	s23 =	smov.u32 s6  }
0x9f: {  	v5 =	vld [tilespmem:s23+$0x7000];
	v7 =	vsub.bf16 v11, v10;
	v8 =	vunpack.i.u.bf16.f32 v12;
	v9 =	vunpack.i.l.bf16.f32 v12  }
0xa0: {  	v10 =	vld [tilespmem:s23+$0x7010];
	_ =	sdelay $0x2  }
0xa1: {  	v1 =	vadd.bf16 v2, v1;
	v2 =	vadd.bf16 v4, v3;
	_ =	sdelay $0x1  }
0xa2: {  	v1 =	vsub.bf16 v1, v5;
	v2 =	vsub.bf16 v2, v10  }
0xa3: {  	v62 =	vmul.bf16 v7, v7;
	v3 =	vmul.bf16 v6, v6  }
0xa4: {  	v1 =	vmul.bf16 v1, v1;
	v2 =	vmul.bf16 v2, v2  }
0xa5: {  	v3 =	vadd.bf16 v62, v3  }
0xa6: {  	v1 =	vadd.bf16 v2, v1  }
0xa7: {  	v4 =	vunpack.i.u.bf16.f32 v3;
	v3 =	vunpack.i.l.bf16.f32 v3;
	v2 =	vadd.f32 v9, v8  }
0xa8: {  	v3 =	vadd.f32 v3, v4;
	v63 =	vunpack.i.u.bf16.f32 v1;
	v1 =	vunpack.i.l.bf16.f32 v1  }
0xa9: {  	v2 =	vsub.f32 $0.0e+00, v2;
	v1 =	vadd.f32 v1, v63  }
0xaa: {  	v3 =	vsub.f32 $0.0e+00, v3  }
0xab: {  	[tilespmem:s20+$0xB000] =	vst v2;
	v1 =	vsub.f32 $0.0e+00, v1  }
0xac: {  	[tilespmem:s21+$0xB000] =	vst v3  }
.Ltmp6:
0xad: {  	s6 =	sadd.s32 $0x3080, s19;
	[tilespmem:s23+$0xB000] =	vst v1;
	(pc) =	sbr.rel @p1 .LBB2_12-.Ltmp6, $4  }
0xae: {  	[spmem:s1] =	stream.indirect.scatter.add.f32 [tilespmem:s0], [sflag:$0x3], $0x20, s6, s18, $0xb8;
	[tilespmem:$0xE000] =	vst v63  }
0xaf: {  	_ =	swait.ge [sflag:s14], $0x1000  }
0xb0: {  	[sflag:s14] =	ssyncset.done $0x0  }
0xb1: {  	[sflag:s14] =	ssyncadd.s32 $0xFFFFF000  }
0xb2: {  	s6 =	sadd.s32 $0x180, s17  }
0xb3: {  	[tilespmem:s22], [sflag:$0x2] =	stream.indirect.gather [hbm4b:s3+s18], $0x20, s6, s18, $0xb8;
	[tilespmem:$0xE000] =	vst v63  }
.Ltmp7:
0xb4: {  	_ = 	snop;
	(pc) =	sbr.rel .LBB2_6-.Ltmp7, $4  }
0xb5: {  	s23 =	sadd.s32 $0x1180, s17  }
0xb6: {  	[tilespmem:s24], [sflag:$0x2] =	stream.indirect.gather [hbm4b:s3+s18], $0x20, s23, s18, $0xb8;
	[tilespmem:$0xE000] =	vst v63  }
0xb7: {  	s26 =	sadd.s32 $0x2180, s17;
	s5 =	sadd.s32 $0x1, s5  }
0xb8: {  	[tilespmem:s28], [sflag:$0x2] =	stream.indirect.gather [hbm4b:s4+s18], $0x20, s26, s18, $0xb8;
	[tilespmem:$0xE000] =	vst v63  }
.LBB2_13:
0xb9: {  	_ =	sfence.sel $0x180000  }
0xba: {  	[bflag:$0x0] =	sbarrier.arrive $0xFFFF  }
0xbb: {  	_ =	strace $0x90000047  }
0xbc: {  	[bflag:$0x2] =	sbarrier.arrive $0xFFFF  }
0xbd: {  	s0 =	rddreg [dreg:$0x6]  }
0xbe: {  	s0 =	sadd.s32 @!p0 $0x100000, s0  }
0xbf: {  	[sflag:s0] =	ssyncadd.tile.s32 @!p0 $0x1;
	_ =	shalt  }
.Lfunc_end2:
_tile_overlayer_lowered:
.L_overlay_start_2:
0xc0: {  	(tag) =	ssettag $0x2  }
0xc1: {  	s0 =	rddreg [dreg:$0x0];
	s2 =	stileid.u32  }
0xc2: {  	s1 =	rddreg [dreg:$0x1];
	p0 =	sne.s32 s2, $0x0  }
0xc3: {  	s3 =	rddreg [dreg:$0x2];
	[bflag:$0x3] =	sbarrier.arrive $0xFFFF;
	s2 =	simm.s32 @!p0 $0x1C03  }
0xc4: {  	[timem:s3], [sflag:s2] =	dma.local @!p0 [hbm:s0], s1  }
0xc5: {  	s0 =	simm.s32 @!p0 $0x3  }
0xc6: {  	_ =	swait.ge @!p0 [sflag:s0], s1  }
0xc7: {  	s1 =	ssub.s32 @!p0 $0x0, s1;
	[sflag:s0] =	ssyncset.done @!p0 $0x0  }
0xc8: {  	[sflag:s0] =	ssyncadd.s32 @!p0 s1  }
0xc9: {  	[bflag:$0x3] =	sbarrier.arrive $0xFFFF  }
0xca: {  	_ =	shalt  }

</sc_bundles>
